<compile_context>
chip_gen: v7x
topology: tpu7x:2x2x1
jax: 0.10.2.dev20260603
libtpu: 0.0.44.dev20260713+nightly
codegen_flags: <defaults>
</compile_context>

<pallas_src>
import jax
import jax.numpy as jnp
from jax import lax
from jax.experimental import pallas as pl
from jax.experimental.pallas import tpu as pltpu
from jax.experimental.pallas import tpu_sc as plsc

N = 10000
E = 320000
D = 128
DH = D // 2

NC = 2
NS = 16
CB = 128
CH = 160
DCH = 80
EPT = CH * CB
EPAD = NS * EPT
NPAD = 10240
RPT = NPAD // NS

BM = 2000

_mesh = plsc.VectorSubcoreMesh(
    core_axis_name="c", subcore_axis_name="s", num_cores=NC, num_subcores=NS
)

_sc_params = pltpu.CompilerParams(use_tc_tiling_on_sc=False)


def _deg_body(dst_hbm, ones_hbm, zer_hbm, out_hbm, dstv, onesv, acc):
    cid = lax.axis_index("c")
    sid = lax.axis_index("s")
    pltpu.sync_copy(zer_hbm, acc.at[pl.ds(sid * RPT, RPT)])
    pltpu.sync_copy(dst_hbm.at[cid, sid], dstv)
    pltpu.sync_copy(ones_hbm, onesv)
    plsc.subcore_barrier()

    def step(j, carry):
        pltpu.sync_copy(onesv, acc.at[dstv.at[j]], add=True)
        return carry

    lax.fori_loop(0, DCH, step, 0)
    plsc.subcore_barrier()
    pltpu.sync_copy(
        acc.at[pl.ds(sid * RPT, RPT)], out_hbm.at[cid, pl.ds(sid * RPT, RPT)]
    )


_deg_call = pl.kernel(
    _deg_body,
    out_type=jax.ShapeDtypeStruct((NC, NPAD), jnp.float32),
    mesh=_mesh,
    scratch_types=[
        pltpu.VMEM((DCH, CB), jnp.int32),
        pltpu.VMEM((CB,), jnp.float32),
        pltpu.VMEM_SHARED((NPAD,), jnp.float32),
    ],
    compiler_params=_sc_params,
)


def _agg_body(g_hbm, src_hbm, dst_hbm, zer_hbm, out_hbm,
              srcv, dstv, bufs, gsems, ssems, acc):
    cid = lax.axis_index("c")
    sid = lax.axis_index("s")
    pltpu.sync_copy(zer_hbm, acc.at[pl.ds(sid * RPT, RPT)])
    pltpu.sync_copy(src_hbm.at[cid, sid], srcv)
    pltpu.sync_copy(dst_hbm.at[sid], dstv)
    plsc.subcore_barrier()

    def g_start(j, b):
        pltpu.async_copy(g_hbm.at[srcv.at[j]], bufs[b], gsems[b])

    def g_wait(j, b):
        pltpu.make_async_copy(g_hbm.at[srcv.at[j]], bufs[b], gsems[b]).wait()

    def s_start(j, b):
        pltpu.async_copy(bufs[b], acc.at[dstv.at[j]], ssems[b], add=True)

    def s_wait(j, b):
        pltpu.make_async_copy(bufs[b], acc.at[dstv.at[j]], ssems[b]).wait()

    g_start(0, 0)
    g_start(1, 1)

    def step(i, carry):
        for b in range(4):
            j = 4 * i + b
            g_wait(j, b)
            s_start(j, b)
            jm2 = jnp.maximum(j - 2, 0)
            if b < 2:

                @pl.when(i > 0)
                def _():
                    s_wait(jm2, (b + 2) % 4)
            else:
                s_wait(jm2, (b + 2) % 4)
            jn = jnp.minimum(j + 2, CH - 1)
            g_start(jn, (b + 2) % 4)
        return carry

    lax.fori_loop(0, CH // 4, step, 0)
    s_wait(CH - 2, (CH - 2) % 4)
    s_wait(CH - 1, (CH - 1) % 4)
    g_wait(CH - 1, CH % 4)
    g_wait(CH - 1, (CH + 1) % 4)
    plsc.subcore_barrier()
    pltpu.sync_copy(
        acc.at[pl.ds(sid * RPT, RPT)], out_hbm.at[pl.ds(sid * RPT, RPT), cid]
    )


_agg_call = pl.kernel(
    _agg_body,
    out_type=jax.ShapeDtypeStruct((NPAD, NC, DH), jnp.float32),
    mesh=_mesh,
    scratch_types=[
        pltpu.VMEM((CH, CB), jnp.int32),
        pltpu.VMEM((CH, CB), jnp.int32),
        [pltpu.VMEM((CB, DH), jnp.float32)] * 4,
        [pltpu.SemaphoreType.DMA] * 4,
        [pltpu.SemaphoreType.DMA] * 4,
        pltpu.VMEM_SHARED((NPAD, DH), jnp.float32),
    ],
    compiler_params=_sc_params,
)


def _tc_first_body(x_ref, w_ref, ds_ref, g_ref):
    dinv = lax.rsqrt(ds_ref[...])
    h = jnp.dot(x_ref[...], w_ref[...], preferred_element_type=jnp.float32)
    g_ref[...] = h * dinv


def _tc_mid_body(a_ref, g_ref, ds_ref, b_ref, w_ref, o_ref):
    dinv = lax.rsqrt(ds_ref[...])
    z = (a_ref[...] + g_ref[...]) * dinv + b_ref[...]
    z = jnp.maximum(z, 0.0)
    h = jnp.dot(z, w_ref[...], preferred_element_type=jnp.float32)
    o_ref[...] = h * dinv


def _tc_last_body(a_ref, g_ref, ds_ref, b_ref, o_ref):
    dinv = lax.rsqrt(ds_ref[...])
    o_ref[...] = (a_ref[...] + g_ref[...]) * dinv + b_ref[...]


_row_spec = pl.BlockSpec((BM, D), lambda i: (i, 0))
_col_spec = pl.BlockSpec((BM, 1), lambda i: (i, 0))
_w_spec = pl.BlockSpec((D, D), lambda i: (0, 0))
_b_spec = pl.BlockSpec((1, D), lambda i: (0, 0))
_out_sd = jax.ShapeDtypeStruct((N, D), jnp.float32)

_tc_first = pl.pallas_call(
    _tc_first_body,
    grid=(N // BM,),
    in_specs=[_row_spec, _w_spec, _col_spec],
    out_specs=_row_spec,
    out_shape=_out_sd,
)

_tc_mid = pl.pallas_call(
    _tc_mid_body,
    grid=(N // BM,),
    in_specs=[_row_spec, _row_spec, _col_spec, _b_spec, _w_spec],
    out_specs=_row_spec,
    out_shape=_out_sd,
)

_tc_last = pl.pallas_call(
    _tc_last_body,
    grid=(N // BM,),
    in_specs=[_row_spec, _row_spec, _col_spec, _b_spec],
    out_specs=_row_spec,
    out_shape=_out_sd,
)


def kernel(x, edge_index, W1, b1, W2, b2):
    src = edge_index[0].astype(jnp.int32)
    dst = edge_index[1].astype(jnp.int32)
    npad = EPAD - E
    pad_ar = jnp.arange(npad, dtype=jnp.int32)
    pad_src = (pad_ar * 37) % N
    pad_dst = N + pad_ar % (NPAD - N)
    srcb = jnp.concatenate([src, pad_src])
    src2 = (2 * srcb)[None, :] + jnp.arange(NC, dtype=jnp.int32)[:, None]
    src2 = src2.reshape(NC, NS, CH, CB)
    dsta = jnp.concatenate([dst, pad_dst]).reshape(NS, CH, CB)
    dstd = dsta.reshape(NC, NS, DCH, CB)

    ones_v = jnp.ones((CB,), jnp.float32)
    zer_1 = jnp.zeros((RPT,), jnp.float32)
    zer_2 = jnp.zeros((RPT, DH), jnp.float32)

    degp = _deg_call(dstd, ones_v, zer_1)
    dsum = (degp[0, :N] + degp[1, :N] + 1.0)[:, None]

    b1r = b1.reshape(1, D)
    b2r = b2.reshape(1, D)

    g1 = _tc_first(x, W1, dsum)
    acc1 = _agg_call(g1.reshape(2 * N, DH), src2, dsta, zer_2)
    g2 = _tc_mid(acc1.reshape(NPAD, D)[:N], g1, dsum, b1r, W2)
    acc2 = _agg_call(g2.reshape(2 * N, DH), src2, dsta, zer_2)
    out = _tc_last(acc2.reshape(NPAD, D)[:N], g2, dsum, b2r)
    return out

# --- scband reference (transcript-rebuilt; emitter-appended) ---
"""Pipeline reference for scband-gnnmodel-29600914604111 (READ-ONLY COPY).

The authoritative reference and input builder live on the scoring server;
editing this copy changes nothing except your own understanding.
"""

import jax, jax.numpy as jnp
import numpy as np

N_NODES = 10000
N_EDGES = 320000
D_IN = 128
D_HID = 128
D_OUT = 128


def setup_inputs(seed: int = 0) -> dict:
    key = jax.random.key(seed)
    k1, k2, k3, k4, k5, k6 = jax.random.split(key, 6)
    x = jax.random.normal(k1, (N_NODES, D_IN), dtype=jnp.float32)
    edge_index = jax.random.randint(k2, (2, N_EDGES), 0, N_NODES, dtype=jnp.int32)
    # GCNConv layer 1 params (Linear weight stored as [in, out] for x @ W)
    W1 = jax.random.normal(k3, (D_IN, D_HID), dtype=jnp.float32) * (1.0 / np.sqrt(D_IN))
    b1 = jnp.zeros((D_HID,), dtype=jnp.float32)
    # GCNConv layer 2 params
    W2 = jax.random.normal(k4, (D_HID, D_OUT), dtype=jnp.float32) * (1.0 / np.sqrt(D_HID))
    b2 = jnp.zeros((D_OUT,), dtype=jnp.float32)
    return {"x": x, "edge_index": edge_index, "W1": W1, "b1": b1, "W2": W2, "b2": b2}


def _gcn_conv(x, edge_index, W, b):
    # Faithful GCNConv: add self-loops, symmetric normalization, scatter-add aggregation.
    N = x.shape[0]
    loop = jnp.arange(N, dtype=edge_index.dtype)
    src = jnp.concatenate([edge_index[0], loop])
    dst = jnp.concatenate([edge_index[1], loop])
    h = x @ W
    deg = jnp.zeros((N,), dtype=h.dtype).at[dst].add(1.0)
    dinv = jnp.where(deg > 0, jax.lax.rsqrt(jnp.maximum(deg, 1e-12)), 0.0)
    norm = dinv[src] * dinv[dst]
    msg = h[src] * norm[:, None]
    out = jnp.zeros((N, h.shape[1]), dtype=h.dtype).at[dst].add(msg)
    return out + b


def reference(x, edge_index, W1, b1, W2, b2):
    # layer 1: GCNConv -> ReLU -> Dropout(eval: identity)
    h = _gcn_conv(x, edge_index, W1, b1)
    h = jax.nn.relu(h)
    # dropout is identity at inference
    # layer 2: GCNConv
    out = _gcn_conv(h, edge_index, W2, b2)
    return out

if __name__ == "__main__":
    import jax
    _d = setup_inputs()
    print(jax.jit(kernel)(*tuple(_d.values())))

</pallas_src>

<mosaic_0001>
#map = affine_map<(d0, d1) -> (0, 0)>
#map1 = affine_map<(d0, d1) -> (0, 0, 0, 0)>
#map2 = affine_map<(d0, d1) -> (0, 0, 0)>
module attributes {stable_mosaic.version = 14 : i64} {
  func.func @_agg_body(%arg0: i32, %arg1: i32, %arg2: memref<20000x64xf32, #tpu.memory_space<hbm>>, %arg3: memref<2x16x160x128xi32, #tpu.memory_space<hbm>>, %arg4: memref<16x160x128xi32, #tpu.memory_space<hbm>>, %arg5: memref<640x64xf32, #tpu.memory_space<hbm>>, %arg6: memref<10240x2x64xf32, #tpu.memory_space<hbm>>, %arg7: memref<160x128xi32, #tpu.memory_space<vmem>>, %arg8: memref<160x128xi32, #tpu.memory_space<vmem>>, %arg9: memref<128x64xf32, #tpu.memory_space<vmem>>, %arg10: memref<128x64xf32, #tpu.memory_space<vmem>>, %arg11: memref<128x64xf32, #tpu.memory_space<vmem>>, %arg12: memref<128x64xf32, #tpu.memory_space<vmem>>, %arg13: memref<!tpu.dma_semaphore, #tpu.memory_space<semaphore_mem>>, %arg14: memref<!tpu.dma_semaphore, #tpu.memory_space<semaphore_mem>>, %arg15: memref<!tpu.dma_semaphore, #tpu.memory_space<semaphore_mem>>, %arg16: memref<!tpu.dma_semaphore, #tpu.memory_space<semaphore_mem>>, %arg17: memref<!tpu.dma_semaphore, #tpu.memory_space<semaphore_mem>>, %arg18: memref<!tpu.dma_semaphore, #tpu.memory_space<semaphore_mem>>, %arg19: memref<!tpu.dma_semaphore, #tpu.memory_space<semaphore_mem>>, %arg20: memref<!tpu.dma_semaphore, #tpu.memory_space<semaphore_mem>>, %arg21: memref<10240x64xf32, #tpu.memory_space<vmem_shared>>) attributes {dimension_semantics = [#tpu.dimension_semantics<core_parallel>, #tpu.dimension_semantics<subcore_parallel>], iteration_bounds = array<i64: 2, 16>, scalar_prefetch = 0 : i64, scratch_operands = 15 : i64, tpu.core_type = #tpu.core_type<sc_vector_subcore>, window_params = [{transform_indices = #map}, {transform_indices = #map1}, {transform_indices = #map2}, {transform_indices = #map}, {transform_indices = #map2}]} {
    %mul3A = arith.constant 640 : i32
    %mul3A_0 = arith.muli %arg1, %mul3A : i32
    "tpu.region"() ({
      %run_scoped3A = tpu.sem_alloc : memref<!tpu.dma_semaphore, #tpu.memory_space<semaphore_mem>>
      %dma_start3A_51 = arith.constant 0 : i32
      %dma_start3A_52 = tpu.memref_slice %arg21[%mul3A_0, %dma_start3A_51] : memref<10240x64xf32, #tpu.memory_space<vmem_shared>> -> memref<640x64xf32, #tpu.memory_space<vmem_shared>>
      tpu.enqueue_dma source(%arg5 : memref<640x64xf32, #tpu.memory_space<hbm>>) target(%dma_start3A_52 : memref<640x64xf32, #tpu.memory_space<vmem_shared>>) target_semaphore(%run_scoped3A : memref<!tpu.dma_semaphore, #tpu.memory_space<semaphore_mem>>)
      %dma_wait3A_53 = arith.constant 0 : i32
      %dma_wait3A_54 = tpu.memref_slice %arg21[%mul3A_0, %dma_wait3A_53] : memref<10240x64xf32, #tpu.memory_space<vmem_shared>> -> memref<640x64xf32, #tpu.memory_space<vmem_shared>>
      tpu.wait_dma2 semaphore(%run_scoped3A : memref<!tpu.dma_semaphore, #tpu.memory_space<semaphore_mem>>) src(%arg5 : memref<640x64xf32, #tpu.memory_space<hbm>>) dst(%dma_wait3A_54 : memref<640x64xf32, #tpu.memory_space<vmem_shared>>)
      tpu.yield
    }) : () -> ()
    "tpu.region"() ({
      %run_scoped3A = tpu.sem_alloc : memref<!tpu.dma_semaphore, #tpu.memory_space<semaphore_mem>>
      %dma_start3A_51 = arith.constant 0 : i32
      %dma_start3A_52 = arith.constant 0 : i32
      %dma_start3A_53 = tpu.memref_slice %arg3[%arg0, %arg1, %dma_start3A_51, %dma_start3A_52] : memref<2x16x160x128xi32, #tpu.memory_space<hbm>> -> memref<1x1x160x128xi32, #tpu.memory_space<hbm>>
      %dma_start3A_54 = tpu.memref_squeeze %dma_start3A_53 : memref<1x1x160x128xi32, #tpu.memory_space<hbm>> -> memref<160x128xi32, #tpu.memory_space<hbm>>
      %dma_start3A_55 = arith.constant 0 : i32
      %dma_start3A_56 = arith.constant 0 : i32
      %dma_start3A_57 = tpu.memref_slice %arg3[%arg0, %arg1, %dma_start3A_55, %dma_start3A_56] : memref<2x16x160x128xi32, #tpu.memory_space<hbm>> -> memref<1x1x160x128xi32, #tpu.memory_space<hbm>>
      %dma_start3A_58 = tpu.memref_squeeze %dma_start3A_57 : memref<1x1x160x128xi32, #tpu.memory_space<hbm>> -> memref<160x128xi32, #tpu.memory_space<hbm>>
      tpu.enqueue_dma source(%dma_start3A_58 : memref<160x128xi32, #tpu.memory_space<hbm>>) target(%arg7 : memref<160x128xi32, #tpu.memory_space<vmem>>) target_semaphore(%run_scoped3A : memref<!tpu.dma_semaphore, #tpu.memory_space<semaphore_mem>>)
      %dma_wait3A_59 = arith.constant 0 : i32
      %dma_wait3A_60 = arith.constant 0 : i32
      %dma_wait3A_61 = tpu.memref_slice %arg3[%arg0, %arg1, %dma_wait3A_59, %dma_wait3A_60] : memref<2x16x160x128xi32, #tpu.memory_space<hbm>> -> memref<1x1x160x128xi32, #tpu.memory_space<hbm>>
      %dma_wait3A_62 = tpu.memref_squeeze %dma_wait3A_61 : memref<1x1x160x128xi32, #tpu.memory_space<hbm>> -> memref<160x128xi32, #tpu.memory_space<hbm>>
      %dma_wait3A_63 = arith.constant 0 : i32
      %dma_wait3A_64 = arith.constant 0 : i32
      %dma_wait3A_65 = tpu.memref_slice %arg3[%arg0, %arg1, %dma_wait3A_63, %dma_wait3A_64] : memref<2x16x160x128xi32, #tpu.memory_space<hbm>> -> memref<1x1x160x128xi32, #tpu.memory_space<hbm>>
      %dma_wait3A_66 = tpu.memref_squeeze %dma_wait3A_65 : memref<1x1x160x128xi32, #tpu.memory_space<hbm>> -> memref<160x128xi32, #tpu.memory_space<hbm>>
      tpu.wait_dma2 semaphore(%run_scoped3A : memref<!tpu.dma_semaphore, #tpu.memory_space<semaphore_mem>>) src(%dma_wait3A_66 : memref<160x128xi32, #tpu.memory_space<hbm>>) dst(%arg7 : memref<160x128xi32, #tpu.memory_space<vmem>>)
      tpu.yield
    }) : () -> ()
    "tpu.region"() ({
      %run_scoped3A = tpu.sem_alloc : memref<!tpu.dma_semaphore, #tpu.memory_space<semaphore_mem>>
      %dma_start3A_51 = arith.constant 0 : i32
      %dma_start3A_52 = arith.constant 0 : i32
      %dma_start3A_53 = tpu.memref_slice %arg4[%arg1, %dma_start3A_51, %dma_start3A_52] : memref<16x160x128xi32, #tpu.memory_space<hbm>> -> memref<1x160x128xi32, #tpu.memory_space<hbm>>
      %dma_start3A_54 = tpu.memref_squeeze %dma_start3A_53 : memref<1x160x128xi32, #tpu.memory_space<hbm>> -> memref<160x128xi32, #tpu.memory_space<hbm>>
      %dma_start3A_55 = arith.constant 0 : i32
      %dma_start3A_56 = arith.constant 0 : i32
      %dma_start3A_57 = tpu.memref_slice %arg4[%arg1, %dma_start3A_55, %dma_start3A_56] : memref<16x160x128xi32, #tpu.memory_space<hbm>> -> memref<1x160x128xi32, #tpu.memory_space<hbm>>
      %dma_start3A_58 = tpu.memref_squeeze %dma_start3A_57 : memref<1x160x128xi32, #tpu.memory_space<hbm>> -> memref<160x128xi32, #tpu.memory_space<hbm>>
      tpu.enqueue_dma source(%dma_start3A_58 : memref<160x128xi32, #tpu.memory_space<hbm>>) target(%arg8 : memref<160x128xi32, #tpu.memory_space<vmem>>) target_semaphore(%run_scoped3A : memref<!tpu.dma_semaphore, #tpu.memory_space<semaphore_mem>>)
      %dma_wait3A_59 = arith.constant 0 : i32
      %dma_wait3A_60 = arith.constant 0 : i32
      %dma_wait3A_61 = tpu.memref_slice %arg4[%arg1, %dma_wait3A_59, %dma_wait3A_60] : memref<16x160x128xi32, #tpu.memory_space<hbm>> -> memref<1x160x128xi32, #tpu.memory_space<hbm>>
      %dma_wait3A_62 = tpu.memref_squeeze %dma_wait3A_61 : memref<1x160x128xi32, #tpu.memory_space<hbm>> -> memref<160x128xi32, #tpu.memory_space<hbm>>
      %dma_wait3A_63 = arith.constant 0 : i32
      %dma_wait3A_64 = arith.constant 0 : i32
      %dma_wait3A_65 = tpu.memref_slice %arg4[%arg1, %dma_wait3A_63, %dma_wait3A_64] : memref<16x160x128xi32, #tpu.memory_space<hbm>> -> memref<1x160x128xi32, #tpu.memory_space<hbm>>
      %dma_wait3A_66 = tpu.memref_squeeze %dma_wait3A_65 : memref<1x160x128xi32, #tpu.memory_space<hbm>> -> memref<160x128xi32, #tpu.memory_space<hbm>>
      tpu.wait_dma2 semaphore(%run_scoped3A : memref<!tpu.dma_semaphore, #tpu.memory_space<semaphore_mem>>) src(%dma_wait3A_66 : memref<160x128xi32, #tpu.memory_space<hbm>>) dst(%arg8 : memref<160x128xi32, #tpu.memory_space<vmem>>)
      tpu.yield
    }) : () -> ()
    %barrier3A = arith.constant 0 : index
    tpu.barrier barrier_id(%barrier3A)
    %dma_start3A = arith.constant 0 : i32
    %dma_start3A_1 = arith.constant 0 : i32
    %dma_start3A_2 = tpu.memref_slice %arg7[%dma_start3A, %dma_start3A_1] : memref<160x128xi32, #tpu.memory_space<vmem>> -> memref<1x128xi32, #tpu.memory_space<vmem>>
    %dma_start3A_3 = tpu.memref_squeeze %dma_start3A_2 : memref<1x128xi32, #tpu.memory_space<vmem>> -> memref<128xi32, #tpu.memory_space<vmem>>
    %dma_start3A_4 = arith.constant 0 : i32
    %dma_start3A_5 = arith.constant 0 : i32
    %dma_start3A_6 = tpu.memref_slice %arg2[%dma_start3A_4, %dma_start3A_5] : memref<20000x64xf32, #tpu.memory_space<hbm>> -> memref<20000x64xf32, #tpu.memory_space<hbm>>
    tpu.enqueue_indirect_dma source(%dma_start3A_6 : memref<20000x64xf32, #tpu.memory_space<hbm>>) target(%arg9 : memref<128x64xf32, #tpu.memory_space<vmem>>) offsets(%dma_start3A_3 : memref<128xi32, #tpu.memory_space<vmem>>) semaphore(%arg13 : memref<!tpu.dma_semaphore, #tpu.memory_space<semaphore_mem>>)
    %dma_start3A_7 = arith.constant 1 : i32
    %dma_start3A_8 = arith.constant 0 : i32
    %dma_start3A_9 = tpu.memref_slice %arg7[%dma_start3A_7, %dma_start3A_8] : memref<160x128xi32, #tpu.memory_space<vmem>> -> memref<1x128xi32, #tpu.memory_space<vmem>>
    %dma_start3A_10 = tpu.memref_squeeze %dma_start3A_9 : memref<1x128xi32, #tpu.memory_space<vmem>> -> memref<128xi32, #tpu.memory_space<vmem>>
    %dma_start3A_11 = arith.constant 0 : i32
    %dma_start3A_12 = arith.constant 0 : i32
    %dma_start3A_13 = tpu.memref_slice %arg2[%dma_start3A_11, %dma_start3A_12] : memref<20000x64xf32, #tpu.memory_space<hbm>> -> memref<20000x64xf32, #tpu.memory_space<hbm>>
    tpu.enqueue_indirect_dma source(%dma_start3A_13 : memref<20000x64xf32, #tpu.memory_space<hbm>>) target(%arg10 : memref<128x64xf32, #tpu.memory_space<vmem>>) offsets(%dma_start3A_10 : memref<128xi32, #tpu.memory_space<vmem>>) semaphore(%arg14 : memref<!tpu.dma_semaphore, #tpu.memory_space<semaphore_mem>>)
    %scan3A = arith.constant 0 : i32
    %scan3A_14 = arith.constant 0 : i32
    %scan3A_15 = arith.constant 40 : i32
    %scan3A_16 = arith.addi %scan3A_14, %scan3A_15 : i32
    %scan3A_17 = arith.constant 1 : i32
    scf.for %scan3A_51 = %scan3A_14 to %scan3A_16 step %scan3A_17  : i32 {
      %mul3A_52 = arith.constant 4 : i32
      %mul3A_53 = arith.muli %mul3A_52, %scan3A_51 : i32
      %add3A = arith.constant 0 : i32
      %add3A_54 = arith.addi %mul3A_53, %add3A : i32
      %dma_wait3A_55 = arith.constant 0 : i32
      %dma_wait3A_56 = tpu.memref_slice %arg7[%add3A_54, %dma_wait3A_55] : memref<160x128xi32, #tpu.memory_space<vmem>> -> memref<1x128xi32, #tpu.memory_space<vmem>>
      %dma_wait3A_57 = tpu.memref_squeeze %dma_wait3A_56 : memref<1x128xi32, #tpu.memory_space<vmem>> -> memref<128xi32, #tpu.memory_space<vmem>>
      %dma_wait3A_58 = arith.constant 0 : i32
      %dma_wait3A_59 = arith.constant 0 : i32
      %dma_wait3A_60 = tpu.memref_slice %arg2[%dma_wait3A_58, %dma_wait3A_59] : memref<20000x64xf32, #tpu.memory_space<hbm>> -> memref<20000x64xf32, #tpu.memory_space<hbm>>
      tpu.wait_indirect_dma semaphore(%arg13 : memref<!tpu.dma_semaphore, #tpu.memory_space<semaphore_mem>>) src(%dma_wait3A_60 : memref<20000x64xf32, #tpu.memory_space<hbm>>) dst(%arg9 : memref<128x64xf32, #tpu.memory_space<vmem>>)
      %dma_start3A_61 = arith.constant 0 : i32
      %dma_start3A_62 = tpu.memref_slice %arg8[%add3A_54, %dma_start3A_61] : memref<160x128xi32, #tpu.memory_space<vmem>> -> memref<1x128xi32, #tpu.memory_space<vmem>>
      %dma_start3A_63 = tpu.memref_squeeze %dma_start3A_62 : memref<1x128xi32, #tpu.memory_space<vmem>> -> memref<128xi32, #tpu.memory_space<vmem>>
      %dma_start3A_64 = arith.constant 0 : i32
      %dma_start3A_65 = arith.constant 0 : i32
      %dma_start3A_66 = tpu.memref_slice %arg21[%dma_start3A_64, %dma_start3A_65] : memref<10240x64xf32, #tpu.memory_space<vmem_shared>> -> memref<10240x64xf32, #tpu.memory_space<vmem_shared>>
      tpu.enqueue_indirect_dma source(%arg9 : memref<128x64xf32, #tpu.memory_space<vmem>>) target(%dma_start3A_66 : memref<10240x64xf32, #tpu.memory_space<vmem_shared>>) offsets(%dma_start3A_63 : memref<128xi32, #tpu.memory_space<vmem>>) semaphore(%arg17 : memref<!tpu.dma_semaphore, #tpu.memory_space<semaphore_mem>>) {add = true}
      %sub3A = arith.constant 2 : i32
      %sub3A_67 = arith.subi %add3A_54, %sub3A : i32
      %max3A = arith.constant 0 : i32
      %max3A_68 = arith.maxsi %sub3A_67, %max3A : i32
      %gt3A = arith.constant 0 : i32
      %gt3A_69 = arith.cmpi sgt, %scan3A_51, %gt3A : i32
      %convert_element_type3A = arith.extui %gt3A_69 : i1 to i32
      %cond3A = arith.constant 0 : i32
      %cond3A_70 = arith.cmpi ne, %convert_element_type3A, %cond3A : i32
      scf.if %cond3A_70 {
        %dma_wait3A_187 = arith.constant 0 : i32
        %dma_wait3A_188 = tpu.memref_slice %arg8[%max3A_68, %dma_wait3A_187] : memref<160x128xi32, #tpu.memory_space<vmem>> -> memref<1x128xi32, #tpu.memory_space<vmem>>
        %dma_wait3A_189 = tpu.memref_squeeze %dma_wait3A_188 : memref<1x128xi32, #tpu.memory_space<vmem>> -> memref<128xi32, #tpu.memory_space<vmem>>
        %dma_wait3A_190 = arith.constant 0 : i32
        %dma_wait3A_191 = arith.constant 0 : i32
        %dma_wait3A_192 = tpu.memref_slice %arg21[%dma_wait3A_190, %dma_wait3A_191] : memref<10240x64xf32, #tpu.memory_space<vmem_shared>> -> memref<10240x64xf32, #tpu.memory_space<vmem_shared>>
        tpu.wait_indirect_dma semaphore(%arg19 : memref<!tpu.dma_semaphore, #tpu.memory_space<semaphore_mem>>) src(%arg11 : memref<128x64xf32, #tpu.memory_space<vmem>>) dst(%dma_wait3A_192 : memref<10240x64xf32, #tpu.memory_space<vmem_shared>>)
      } else {
      }
      %add3A_71 = arith.constant 2 : i32
      %add3A_72 = arith.addi %add3A_54, %add3A_71 : i32
      %min3A = arith.constant 159 : i32
      %min3A_73 = arith.minsi %add3A_72, %min3A : i32
      %dma_start3A_74 = arith.constant 0 : i32
      %dma_start3A_75 = tpu.memref_slice %arg7[%min3A_73, %dma_start3A_74] : memref<160x128xi32, #tpu.memory_space<vmem>> -> memref<1x128xi32, #tpu.memory_space<vmem>>
      %dma_start3A_76 = tpu.memref_squeeze %dma_start3A_75 : memref<1x128xi32, #tpu.memory_space<vmem>> -> memref<128xi32, #tpu.memory_space<vmem>>
      %dma_start3A_77 = arith.constant 0 : i32
      %dma_start3A_78 = arith.constant 0 : i32
      %dma_start3A_79 = tpu.memref_slice %arg2[%dma_start3A_77, %dma_start3A_78] : memref<20000x64xf32, #tpu.memory_space<hbm>> -> memref<20000x64xf32, #tpu.memory_space<hbm>>
      tpu.enqueue_indirect_dma source(%dma_start3A_79 : memref<20000x64xf32, #tpu.memory_space<hbm>>) target(%arg11 : memref<128x64xf32, #tpu.memory_space<vmem>>) offsets(%dma_start3A_76 : memref<128xi32, #tpu.memory_space<vmem>>) semaphore(%arg15 : memref<!tpu.dma_semaphore, #tpu.memory_space<semaphore_mem>>)
      %mul3A_80 = arith.constant 4 : i32
      %mul3A_81 = arith.muli %mul3A_80, %scan3A_51 : i32
      %add3A_82 = arith.constant 1 : i32
      %add3A_83 = arith.addi %mul3A_81, %add3A_82 : i32
      %dma_wait3A_84 = arith.constant 0 : i32
      %dma_wait3A_85 = tpu.memref_slice %arg7[%add3A_83, %dma_wait3A_84] : memref<160x128xi32, #tpu.memory_space<vmem>> -> memref<1x128xi32, #tpu.memory_space<vmem>>
      %dma_wait3A_86 = tpu.memref_squeeze %dma_wait3A_85 : memref<1x128xi32, #tpu.memory_space<vmem>> -> memref<128xi32, #tpu.memory_space<vmem>>
      %dma_wait3A_87 = arith.constant 0 : i32
      %dma_wait3A_88 = arith.constant 0 : i32
      %dma_wait3A_89 = tpu.memref_slice %arg2[%dma_wait3A_87, %dma_wait3A_88] : memref<20000x64xf32, #tpu.memory_space<hbm>> -> memref<20000x64xf32, #tpu.memory_space<hbm>>
      tpu.wait_indirect_dma semaphore(%arg14 : memref<!tpu.dma_semaphore, #tpu.memory_space<semaphore_mem>>) src(%dma_wait3A_89 : memref<20000x64xf32, #tpu.memory_space<hbm>>) dst(%arg10 : memref<128x64xf32, #tpu.memory_space<vmem>>)
      %dma_start3A_90 = arith.constant 0 : i32
      %dma_start3A_91 = tpu.memref_slice %arg8[%add3A_83, %dma_start3A_90] : memref<160x128xi32, #tpu.memory_space<vmem>> -> memref<1x128xi32, #tpu.memory_space<vmem>>
      %dma_start3A_92 = tpu.memref_squeeze %dma_start3A_91 : memref<1x128xi32, #tpu.memory_space<vmem>> -> memref<128xi32, #tpu.memory_space<vmem>>
      %dma_start3A_93 = arith.constant 0 : i32
      %dma_start3A_94 = arith.constant 0 : i32
      %dma_start3A_95 = tpu.memref_slice %arg21[%dma_start3A_93, %dma_start3A_94] : memref<10240x64xf32, #tpu.memory_space<vmem_shared>> -> memref<10240x64xf32, #tpu.memory_space<vmem_shared>>
      tpu.enqueue_indirect_dma source(%arg10 : memref<128x64xf32, #tpu.memory_space<vmem>>) target(%dma_start3A_95 : memref<10240x64xf32, #tpu.memory_space<vmem_shared>>) offsets(%dma_start3A_92 : memref<128xi32, #tpu.memory_space<vmem>>) semaphore(%arg18 : memref<!tpu.dma_semaphore, #tpu.memory_space<semaphore_mem>>) {add = true}
      %sub3A_96 = arith.constant 2 : i32
      %sub3A_97 = arith.subi %add3A_83, %sub3A_96 : i32
      %max3A_98 = arith.constant 0 : i32
      %max3A_99 = arith.maxsi %sub3A_97, %max3A_98 : i32
      %gt3A_100 = arith.constant 0 : i32
      %gt3A_101 = arith.cmpi sgt, %scan3A_51, %gt3A_100 : i32
      %convert_element_type3A_102 = arith.extui %gt3A_101 : i1 to i32
      %cond3A_103 = arith.constant 0 : i32
      %cond3A_104 = arith.cmpi ne, %convert_element_type3A_102, %cond3A_103 : i32
      scf.if %cond3A_104 {
        %dma_wait3A_187 = arith.constant 0 : i32
        %dma_wait3A_188 = tpu.memref_slice %arg8[%max3A_99, %dma_wait3A_187] : memref<160x128xi32, #tpu.memory_space<vmem>> -> memref<1x128xi32, #tpu.memory_space<vmem>>
        %dma_wait3A_189 = tpu.memref_squeeze %dma_wait3A_188 : memref<1x128xi32, #tpu.memory_space<vmem>> -> memref<128xi32, #tpu.memory_space<vmem>>
        %dma_wait3A_190 = arith.constant 0 : i32
        %dma_wait3A_191 = arith.constant 0 : i32
        %dma_wait3A_192 = tpu.memref_slice %arg21[%dma_wait3A_190, %dma_wait3A_191] : memref<10240x64xf32, #tpu.memory_space<vmem_shared>> -> memref<10240x64xf32, #tpu.memory_space<vmem_shared>>
        tpu.wait_indirect_dma semaphore(%arg20 : memref<!tpu.dma_semaphore, #tpu.memory_space<semaphore_mem>>) src(%arg12 : memref<128x64xf32, #tpu.memory_space<vmem>>) dst(%dma_wait3A_192 : memref<10240x64xf32, #tpu.memory_space<vmem_shared>>)
      } else {
      }
      %add3A_105 = arith.constant 2 : i32
      %add3A_106 = arith.addi %add3A_83, %add3A_105 : i32
      %min3A_107 = arith.constant 159 : i32
      %min3A_108 = arith.minsi %add3A_106, %min3A_107 : i32
      %dma_start3A_109 = arith.constant 0 : i32
      %dma_start3A_110 = tpu.memref_slice %arg7[%min3A_108, %dma_start3A_109] : memref<160x128xi32, #tpu.memory_space<vmem>> -> memref<1x128xi32, #tpu.memory_space<vmem>>
      %dma_start3A_111 = tpu.memref_squeeze %dma_start3A_110 : memref<1x128xi32, #tpu.memory_space<vmem>> -> memref<128xi32, #tpu.memory_space<vmem>>
      %dma_start3A_112 = arith.constant 0 : i32
      %dma_start3A_113 = arith.constant 0 : i32
      %dma_start3A_114 = tpu.memref_slice %arg2[%dma_start3A_112, %dma_start3A_113] : memref<20000x64xf32, #tpu.memory_space<hbm>> -> memref<20000x64xf32, #tpu.memory_space<hbm>>
      tpu.enqueue_indirect_dma source(%dma_start3A_114 : memref<20000x64xf32, #tpu.memory_space<hbm>>) target(%arg12 : memref<128x64xf32, #tpu.memory_space<vmem>>) offsets(%dma_start3A_111 : memref<128xi32, #tpu.memory_space<vmem>>) semaphore(%arg16 : memref<!tpu.dma_semaphore, #tpu.memory_space<semaphore_mem>>)
      %mul3A_115 = arith.constant 4 : i32
      %mul3A_116 = arith.muli %mul3A_115, %scan3A_51 : i32
      %add3A_117 = arith.constant 2 : i32
      %add3A_118 = arith.addi %mul3A_116, %add3A_117 : i32
      %dma_wait3A_119 = arith.constant 0 : i32
      %dma_wait3A_120 = tpu.memref_slice %arg7[%add3A_118, %dma_wait3A_119] : memref<160x128xi32, #tpu.memory_space<vmem>> -> memref<1x128xi32, #tpu.memory_space<vmem>>
      %dma_wait3A_121 = tpu.memref_squeeze %dma_wait3A_120 : memref<1x128xi32, #tpu.memory_space<vmem>> -> memref<128xi32, #tpu.memory_space<vmem>>
      %dma_wait3A_122 = arith.constant 0 : i32
      %dma_wait3A_123 = arith.constant 0 : i32
      %dma_wait3A_124 = tpu.memref_slice %arg2[%dma_wait3A_122, %dma_wait3A_123] : memref<20000x64xf32, #tpu.memory_space<hbm>> -> memref<20000x64xf32, #tpu.memory_space<hbm>>
      tpu.wait_indirect_dma semaphore(%arg15 : memref<!tpu.dma_semaphore, #tpu.memory_space<semaphore_mem>>) src(%dma_wait3A_124 : memref<20000x64xf32, #tpu.memory_space<hbm>>) dst(%arg11 : memref<128x64xf32, #tpu.memory_space<vmem>>)
      %dma_start3A_125 = arith.constant 0 : i32
      %dma_start3A_126 = tpu.memref_slice %arg8[%add3A_118, %dma_start3A_125] : memref<160x128xi32, #tpu.memory_space<vmem>> -> memref<1x128xi32, #tpu.memory_space<vmem>>
      %dma_start3A_127 = tpu.memref_squeeze %dma_start3A_126 : memref<1x128xi32, #tpu.memory_space<vmem>> -> memref<128xi32, #tpu.memory_space<vmem>>
      %dma_start3A_128 = arith.constant 0 : i32
      %dma_start3A_129 = arith.constant 0 : i32
      %dma_start3A_130 = tpu.memref_slice %arg21[%dma_start3A_128, %dma_start3A_129] : memref<10240x64xf32, #tpu.memory_space<vmem_shared>> -> memref<10240x64xf32, #tpu.memory_space<vmem_shared>>
      tpu.enqueue_indirect_dma source(%arg11 : memref<128x64xf32, #tpu.memory_space<vmem>>) target(%dma_start3A_130 : memref<10240x64xf32, #tpu.memory_space<vmem_shared>>) offsets(%dma_start3A_127 : memref<128xi32, #tpu.memory_space<vmem>>) semaphore(%arg19 : memref<!tpu.dma_semaphore, #tpu.memory_space<semaphore_mem>>) {add = true}
      %sub3A_131 = arith.constant 2 : i32
      %sub3A_132 = arith.subi %add3A_118, %sub3A_131 : i32
      %max3A_133 = arith.constant 0 : i32
      %max3A_134 = arith.maxsi %sub3A_132, %max3A_133 : i32
      %dma_wait3A_135 = arith.constant 0 : i32
      %dma_wait3A_136 = tpu.memref_slice %arg8[%max3A_134, %dma_wait3A_135] : memref<160x128xi32, #tpu.memory_space<vmem>> -> memref<1x128xi32, #tpu.memory_space<vmem>>
      %dma_wait3A_137 = tpu.memref_squeeze %dma_wait3A_136 : memref<1x128xi32, #tpu.memory_space<vmem>> -> memref<128xi32, #tpu.memory_space<vmem>>
      %dma_wait3A_138 = arith.constant 0 : i32
      %dma_wait3A_139 = arith.constant 0 : i32
      %dma_wait3A_140 = tpu.memref_slice %arg21[%dma_wait3A_138, %dma_wait3A_139] : memref<10240x64xf32, #tpu.memory_space<vmem_shared>> -> memref<10240x64xf32, #tpu.memory_space<vmem_shared>>
      tpu.wait_indirect_dma semaphore(%arg17 : memref<!tpu.dma_semaphore, #tpu.memory_space<semaphore_mem>>) src(%arg9 : memref<128x64xf32, #tpu.memory_space<vmem>>) dst(%dma_wait3A_140 : memref<10240x64xf32, #tpu.memory_space<vmem_shared>>)
      %add3A_141 = arith.constant 2 : i32
      %add3A_142 = arith.addi %add3A_118, %add3A_141 : i32
      %min3A_143 = arith.constant 159 : i32
      %min3A_144 = arith.minsi %add3A_142, %min3A_143 : i32
      %dma_start3A_145 = arith.constant 0 : i32
      %dma_start3A_146 = tpu.memref_slice %arg7[%min3A_144, %dma_start3A_145] : memref<160x128xi32, #tpu.memory_space<vmem>> -> memref<1x128xi32, #tpu.memory_space<vmem>>
      %dma_start3A_147 = tpu.memref_squeeze %dma_start3A_146 : memref<1x128xi32, #tpu.memory_space<vmem>> -> memref<128xi32, #tpu.memory_space<vmem>>
      %dma_start3A_148 = arith.constant 0 : i32
      %dma_start3A_149 = arith.constant 0 : i32
      %dma_start3A_150 = tpu.memref_slice %arg2[%dma_start3A_148, %dma_start3A_149] : memref<20000x64xf32, #tpu.memory_space<hbm>> -> memref<20000x64xf32, #tpu.memory_space<hbm>>
      tpu.enqueue_indirect_dma source(%dma_start3A_150 : memref<20000x64xf32, #tpu.memory_space<hbm>>) target(%arg9 : memref<128x64xf32, #tpu.memory_space<vmem>>) offsets(%dma_start3A_147 : memref<128xi32, #tpu.memory_space<vmem>>) semaphore(%arg13 : memref<!tpu.dma_semaphore, #tpu.memory_space<semaphore_mem>>)
      %mul3A_151 = arith.constant 4 : i32
      %mul3A_152 = arith.muli %mul3A_151, %scan3A_51 : i32
      %add3A_153 = arith.constant 3 : i32
      %add3A_154 = arith.addi %mul3A_152, %add3A_153 : i32
      %dma_wait3A_155 = arith.constant 0 : i32
      %dma_wait3A_156 = tpu.memref_slice %arg7[%add3A_154, %dma_wait3A_155] : memref<160x128xi32, #tpu.memory_space<vmem>> -> memref<1x128xi32, #tpu.memory_space<vmem>>
      %dma_wait3A_157 = tpu.memref_squeeze %dma_wait3A_156 : memref<1x128xi32, #tpu.memory_space<vmem>> -> memref<128xi32, #tpu.memory_space<vmem>>
      %dma_wait3A_158 = arith.constant 0 : i32
      %dma_wait3A_159 = arith.constant 0 : i32
      %dma_wait3A_160 = tpu.memref_slice %arg2[%dma_wait3A_158, %dma_wait3A_159] : memref<20000x64xf32, #tpu.memory_space<hbm>> -> memref<20000x64xf32, #tpu.memory_space<hbm>>
      tpu.wait_indirect_dma semaphore(%arg16 : memref<!tpu.dma_semaphore, #tpu.memory_space<semaphore_mem>>) src(%dma_wait3A_160 : memref<20000x64xf32, #tpu.memory_space<hbm>>) dst(%arg12 : memref<128x64xf32, #tpu.memory_space<vmem>>)
      %dma_start3A_161 = arith.constant 0 : i32
      %dma_start3A_162 = tpu.memref_slice %arg8[%add3A_154, %dma_start3A_161] : memref<160x128xi32, #tpu.memory_space<vmem>> -> memref<1x128xi32, #tpu.memory_space<vmem>>
      %dma_start3A_163 = tpu.memref_squeeze %dma_start3A_162 : memref<1x128xi32, #tpu.memory_space<vmem>> -> memref<128xi32, #tpu.memory_space<vmem>>
      %dma_start3A_164 = arith.constant 0 : i32
      %dma_start3A_165 = arith.constant 0 : i32
      %dma_start3A_166 = tpu.memref_slice %arg21[%dma_start3A_164, %dma_start3A_165] : memref<10240x64xf32, #tpu.memory_space<vmem_shared>> -> memref<10240x64xf32, #tpu.memory_space<vmem_shared>>
      tpu.enqueue_indirect_dma source(%arg12 : memref<128x64xf32, #tpu.memory_space<vmem>>) target(%dma_start3A_166 : memref<10240x64xf32, #tpu.memory_space<vmem_shared>>) offsets(%dma_start3A_163 : memref<128xi32, #tpu.memory_space<vmem>>) semaphore(%arg20 : memref<!tpu.dma_semaphore, #tpu.memory_space<semaphore_mem>>) {add = true}
      %sub3A_167 = arith.constant 2 : i32
      %sub3A_168 = arith.subi %add3A_154, %sub3A_167 : i32
      %max3A_169 = arith.constant 0 : i32
      %max3A_170 = arith.maxsi %sub3A_168, %max3A_169 : i32
      %dma_wait3A_171 = arith.constant 0 : i32
      %dma_wait3A_172 = tpu.memref_slice %arg8[%max3A_170, %dma_wait3A_171] : memref<160x128xi32, #tpu.memory_space<vmem>> -> memref<1x128xi32, #tpu.memory_space<vmem>>
      %dma_wait3A_173 = tpu.memref_squeeze %dma_wait3A_172 : memref<1x128xi32, #tpu.memory_space<vmem>> -> memref<128xi32, #tpu.memory_space<vmem>>
      %dma_wait3A_174 = arith.constant 0 : i32
      %dma_wait3A_175 = arith.constant 0 : i32
      %dma_wait3A_176 = tpu.memref_slice %arg21[%dma_wait3A_174, %dma_wait3A_175] : memref<10240x64xf32, #tpu.memory_space<vmem_shared>> -> memref<10240x64xf32, #tpu.memory_space<vmem_shared>>
      tpu.wait_indirect_dma semaphore(%arg18 : memref<!tpu.dma_semaphore, #tpu.memory_space<semaphore_mem>>) src(%arg10 : memref<128x64xf32, #tpu.memory_space<vmem>>) dst(%dma_wait3A_176 : memref<10240x64xf32, #tpu.memory_space<vmem_shared>>)
      %add3A_177 = arith.constant 2 : i32
      %add3A_178 = arith.addi %add3A_154, %add3A_177 : i32
      %min3A_179 = arith.constant 159 : i32
      %min3A_180 = arith.minsi %add3A_178, %min3A_179 : i32
      %dma_start3A_181 = arith.constant 0 : i32
      %dma_start3A_182 = tpu.memref_slice %arg7[%min3A_180, %dma_start3A_181] : memref<160x128xi32, #tpu.memory_space<vmem>> -> memref<1x128xi32, #tpu.memory_space<vmem>>
      %dma_start3A_183 = tpu.memref_squeeze %dma_start3A_182 : memref<1x128xi32, #tpu.memory_space<vmem>> -> memref<128xi32, #tpu.memory_space<vmem>>
      %dma_start3A_184 = arith.constant 0 : i32
      %dma_start3A_185 = arith.constant 0 : i32
      %dma_start3A_186 = tpu.memref_slice %arg2[%dma_start3A_184, %dma_start3A_185] : memref<20000x64xf32, #tpu.memory_space<hbm>> -> memref<20000x64xf32, #tpu.memory_space<hbm>>
      tpu.enqueue_indirect_dma source(%dma_start3A_186 : memref<20000x64xf32, #tpu.memory_space<hbm>>) target(%arg10 : memref<128x64xf32, #tpu.memory_space<vmem>>) offsets(%dma_start3A_183 : memref<128xi32, #tpu.memory_space<vmem>>) semaphore(%arg14 : memref<!tpu.dma_semaphore, #tpu.memory_space<semaphore_mem>>)
    }
    %scan3A_18 = arith.constant 40 : i32
    %dma_wait3A = arith.constant 158 : i32
    %dma_wait3A_19 = arith.constant 0 : i32
    %dma_wait3A_20 = tpu.memref_slice %arg8[%dma_wait3A, %dma_wait3A_19] : memref<160x128xi32, #tpu.memory_space<vmem>> -> memref<1x128xi32, #tpu.memory_space<vmem>>
    %dma_wait3A_21 = tpu.memref_squeeze %dma_wait3A_20 : memref<1x128xi32, #tpu.memory_space<vmem>> -> memref<128xi32, #tpu.memory_space<vmem>>
    %dma_wait3A_22 = arith.constant 0 : i32
    %dma_wait3A_23 = arith.constant 0 : i32
    %dma_wait3A_24 = tpu.memref_slice %arg21[%dma_wait3A_22, %dma_wait3A_23] : memref<10240x64xf32, #tpu.memory_space<vmem_shared>> -> memref<10240x64xf32, #tpu.memory_space<vmem_shared>>
    tpu.wait_indirect_dma semaphore(%arg19 : memref<!tpu.dma_semaphore, #tpu.memory_space<semaphore_mem>>) src(%arg11 : memref<128x64xf32, #tpu.memory_space<vmem>>) dst(%dma_wait3A_24 : memref<10240x64xf32, #tpu.memory_space<vmem_shared>>)
    %dma_wait3A_25 = arith.constant 159 : i32
    %dma_wait3A_26 = arith.constant 0 : i32
    %dma_wait3A_27 = tpu.memref_slice %arg8[%dma_wait3A_25, %dma_wait3A_26] : memref<160x128xi32, #tpu.memory_space<vmem>> -> memref<1x128xi32, #tpu.memory_space<vmem>>
    %dma_wait3A_28 = tpu.memref_squeeze %dma_wait3A_27 : memref<1x128xi32, #tpu.memory_space<vmem>> -> memref<128xi32, #tpu.memory_space<vmem>>
    %dma_wait3A_29 = arith.constant 0 : i32
    %dma_wait3A_30 = arith.constant 0 : i32
    %dma_wait3A_31 = tpu.memref_slice %arg21[%dma_wait3A_29, %dma_wait3A_30] : memref<10240x64xf32, #tpu.memory_space<vmem_shared>> -> memref<10240x64xf32, #tpu.memory_space<vmem_shared>>
    tpu.wait_indirect_dma semaphore(%arg20 : memref<!tpu.dma_semaphore, #tpu.memory_space<semaphore_mem>>) src(%arg12 : memref<128x64xf32, #tpu.memory_space<vmem>>) dst(%dma_wait3A_31 : memref<10240x64xf32, #tpu.memory_space<vmem_shared>>)
    %dma_wait3A_32 = arith.constant 159 : i32
    %dma_wait3A_33 = arith.constant 0 : i32
    %dma_wait3A_34 = tpu.memref_slice %arg7[%dma_wait3A_32, %dma_wait3A_33] : memref<160x128xi32, #tpu.memory_space<vmem>> -> memref<1x128xi32, #tpu.memory_space<vmem>>
    %dma_wait3A_35 = tpu.memref_squeeze %dma_wait3A_34 : memref<1x128xi32, #tpu.memory_space<vmem>> -> memref<128xi32, #tpu.memory_space<vmem>>
    %dma_wait3A_36 = arith.constant 0 : i32
    %dma_wait3A_37 = arith.constant 0 : i32
    %dma_wait3A_38 = tpu.memref_slice %arg2[%dma_wait3A_36, %dma_wait3A_37] : memref<20000x64xf32, #tpu.memory_space<hbm>> -> memref<20000x64xf32, #tpu.memory_space<hbm>>
    tpu.wait_indirect_dma semaphore(%arg13 : memref<!tpu.dma_semaphore, #tpu.memory_space<semaphore_mem>>) src(%dma_wait3A_38 : memref<20000x64xf32, #tpu.memory_space<hbm>>) dst(%arg9 : memref<128x64xf32, #tpu.memory_space<vmem>>)
    %dma_wait3A_39 = arith.constant 159 : i32
    %dma_wait3A_40 = arith.constant 0 : i32
    %dma_wait3A_41 = tpu.memref_slice %arg7[%dma_wait3A_39, %dma_wait3A_40] : memref<160x128xi32, #tpu.memory_space<vmem>> -> memref<1x128xi32, #tpu.memory_space<vmem>>
    %dma_wait3A_42 = tpu.memref_squeeze %dma_wait3A_41 : memref<1x128xi32, #tpu.memory_space<vmem>> -> memref<128xi32, #tpu.memory_space<vmem>>
    %dma_wait3A_43 = arith.constant 0 : i32
    %dma_wait3A_44 = arith.constant 0 : i32
    %dma_wait3A_45 = tpu.memref_slice %arg2[%dma_wait3A_43, %dma_wait3A_44] : memref<20000x64xf32, #tpu.memory_space<hbm>> -> memref<20000x64xf32, #tpu.memory_space<hbm>>
    tpu.wait_indirect_dma semaphore(%arg14 : memref<!tpu.dma_semaphore, #tpu.memory_space<semaphore_mem>>) src(%dma_wait3A_45 : memref<20000x64xf32, #tpu.memory_space<hbm>>) dst(%arg10 : memref<128x64xf32, #tpu.memory_space<vmem>>)
    %barrier3A_46 = arith.constant 0 : index
    tpu.barrier barrier_id(%barrier3A_46)
    %mul3A_47 = arith.constant 640 : i32
    %mul3A_48 = arith.muli %arg1, %mul3A_47 : i32
    %mul3A_49 = arith.constant 640 : i32
    %mul3A_50 = arith.muli %arg1, %mul3A_49 : i32
    "tpu.region"() ({
      %run_scoped3A = tpu.sem_alloc : memref<!tpu.dma_semaphore, #tpu.memory_space<semaphore_mem>>
      %dma_start3A_51 = arith.constant 0 : i32
      %dma_start3A_52 = tpu.memref_slice %arg6[%mul3A_50, %arg0, %dma_start3A_51] : memref<10240x2x64xf32, #tpu.memory_space<hbm>> -> memref<640x1x64xf32, #tpu.memory_space<hbm>>
      %dma_start3A_53 = tpu.memref_squeeze %dma_start3A_52 : memref<640x1x64xf32, #tpu.memory_space<hbm>> -> memref<640x64xf32, #tpu.memory_space<hbm>>
      %dma_start3A_54 = arith.constant 0 : i32
      %dma_start3A_55 = tpu.memref_slice %arg21[%mul3A_48, %dma_start3A_54] : memref<10240x64xf32, #tpu.memory_space<vmem_shared>> -> memref<640x64xf32, #tpu.memory_space<vmem_shared>>
      tpu.enqueue_dma source(%dma_start3A_55 : memref<640x64xf32, #tpu.memory_space<vmem_shared>>) target(%dma_start3A_53 : memref<640x64xf32, #tpu.memory_space<hbm>>) target_semaphore(%run_scoped3A : memref<!tpu.dma_semaphore, #tpu.memory_space<semaphore_mem>>)
      %dma_wait3A_56 = arith.constant 0 : i32
      %dma_wait3A_57 = tpu.memref_slice %arg6[%mul3A_50, %arg0, %dma_wait3A_56] : memref<10240x2x64xf32, #tpu.memory_space<hbm>> -> memref<640x1x64xf32, #tpu.memory_space<hbm>>
      %dma_wait3A_58 = tpu.memref_squeeze %dma_wait3A_57 : memref<640x1x64xf32, #tpu.memory_space<hbm>> -> memref<640x64xf32, #tpu.memory_space<hbm>>
      %dma_wait3A_59 = arith.constant 0 : i32
      %dma_wait3A_60 = tpu.memref_slice %arg21[%mul3A_48, %dma_wait3A_59] : memref<10240x64xf32, #tpu.memory_space<vmem_shared>> -> memref<640x64xf32, #tpu.memory_space<vmem_shared>>
      tpu.wait_dma2 semaphore(%run_scoped3A : memref<!tpu.dma_semaphore, #tpu.memory_space<semaphore_mem>>) src(%dma_wait3A_60 : memref<640x64xf32, #tpu.memory_space<vmem_shared>>) dst(%dma_wait3A_58 : memref<640x64xf32, #tpu.memory_space<hbm>>)
      tpu.yield
    }) : () -> ()
    return
  }
}

#map = affine_map<(d0, d1) -> (0, 0, 0, 0)>
#map1 = affine_map<(d0, d1) -> (0)>
#map2 = affine_map<(d0, d1) -> (0, 0)>
module attributes {stable_mosaic.version = 14 : i64} {
  func.func @_deg_body(%arg0: i32, %arg1: i32, %arg2: memref<2x16x80x128xi32, #tpu.memory_space<hbm>>, %arg3: memref<128xf32, #tpu.memory_space<hbm>>, %arg4: memref<640xf32, #tpu.memory_space<hbm>>, %arg5: memref<2x10240xf32, #tpu.memory_space<hbm>>, %arg6: memref<80x128xi32, #tpu.memory_space<vmem>>, %arg7: memref<128xf32, #tpu.memory_space<vmem>>, %arg8: memref<10240xf32, #tpu.memory_space<vmem_shared>>) attributes {dimension_semantics = [#tpu.dimension_semantics<core_parallel>, #tpu.dimension_semantics<subcore_parallel>], iteration_bounds = array<i64: 2, 16>, scalar_prefetch = 0 : i64, scratch_operands = 3 : i64, tpu.core_type = #tpu.core_type<sc_vector_subcore>, window_params = [{transform_indices = #map}, {transform_indices = #map1}, {transform_indices = #map1}, {transform_indices = #map2}]} {
    %mul3A = arith.constant 640 : i32
    %mul3A_0 = arith.muli %arg1, %mul3A : i32
    "tpu.region"() ({
      %run_scoped3A = tpu.sem_alloc : memref<!tpu.dma_semaphore, #tpu.memory_space<semaphore_mem>>
      %dma_start3A = tpu.memref_slice %arg8[%mul3A_0] : memref<10240xf32, #tpu.memory_space<vmem_shared>> -> memref<640xf32, #tpu.memory_space<vmem_shared>>
      tpu.enqueue_dma source(%arg4 : memref<640xf32, #tpu.memory_space<hbm>>) target(%dma_start3A : memref<640xf32, #tpu.memory_space<vmem_shared>>) target_semaphore(%run_scoped3A : memref<!tpu.dma_semaphore, #tpu.memory_space<semaphore_mem>>)
      %dma_wait3A = tpu.memref_slice %arg8[%mul3A_0] : memref<10240xf32, #tpu.memory_space<vmem_shared>> -> memref<640xf32, #tpu.memory_space<vmem_shared>>
      tpu.wait_dma2 semaphore(%run_scoped3A : memref<!tpu.dma_semaphore, #tpu.memory_space<semaphore_mem>>) src(%arg4 : memref<640xf32, #tpu.memory_space<hbm>>) dst(%dma_wait3A : memref<640xf32, #tpu.memory_space<vmem_shared>>)
      tpu.yield
    }) : () -> ()
    "tpu.region"() ({
      %run_scoped3A = tpu.sem_alloc : memref<!tpu.dma_semaphore, #tpu.memory_space<semaphore_mem>>
      %dma_start3A = arith.constant 0 : i32
      %dma_start3A_11 = arith.constant 0 : i32
      %dma_start3A_12 = tpu.memref_slice %arg2[%arg0, %arg1, %dma_start3A, %dma_start3A_11] : memref<2x16x80x128xi32, #tpu.memory_space<hbm>> -> memref<1x1x80x128xi32, #tpu.memory_space<hbm>>
      %dma_start3A_13 = tpu.memref_squeeze %dma_start3A_12 : memref<1x1x80x128xi32, #tpu.memory_space<hbm>> -> memref<80x128xi32, #tpu.memory_space<hbm>>
      %dma_start3A_14 = arith.constant 0 : i32
      %dma_start3A_15 = arith.constant 0 : i32
      %dma_start3A_16 = tpu.memref_slice %arg2[%arg0, %arg1, %dma_start3A_14, %dma_start3A_15] : memref<2x16x80x128xi32, #tpu.memory_space<hbm>> -> memref<1x1x80x128xi32, #tpu.memory_space<hbm>>
      %dma_start3A_17 = tpu.memref_squeeze %dma_start3A_16 : memref<1x1x80x128xi32, #tpu.memory_space<hbm>> -> memref<80x128xi32, #tpu.memory_space<hbm>>
      tpu.enqueue_dma source(%dma_start3A_17 : memref<80x128xi32, #tpu.memory_space<hbm>>) target(%arg6 : memref<80x128xi32, #tpu.memory_space<vmem>>) target_semaphore(%run_scoped3A : memref<!tpu.dma_semaphore, #tpu.memory_space<semaphore_mem>>)
      %dma_wait3A = arith.constant 0 : i32
      %dma_wait3A_18 = arith.constant 0 : i32
      %dma_wait3A_19 = tpu.memref_slice %arg2[%arg0, %arg1, %dma_wait3A, %dma_wait3A_18] : memref<2x16x80x128xi32, #tpu.memory_space<hbm>> -> memref<1x1x80x128xi32, #tpu.memory_space<hbm>>
      %dma_wait3A_20 = tpu.memref_squeeze %dma_wait3A_19 : memref<1x1x80x128xi32, #tpu.memory_space<hbm>> -> memref<80x128xi32, #tpu.memory_space<hbm>>
      %dma_wait3A_21 = arith.constant 0 : i32
      %dma_wait3A_22 = arith.constant 0 : i32
      %dma_wait3A_23 = tpu.memref_slice %arg2[%arg0, %arg1, %dma_wait3A_21, %dma_wait3A_22] : memref<2x16x80x128xi32, #tpu.memory_space<hbm>> -> memref<1x1x80x128xi32, #tpu.memory_space<hbm>>
      %dma_wait3A_24 = tpu.memref_squeeze %dma_wait3A_23 : memref<1x1x80x128xi32, #tpu.memory_space<hbm>> -> memref<80x128xi32, #tpu.memory_space<hbm>>
      tpu.wait_dma2 semaphore(%run_scoped3A : memref<!tpu.dma_semaphore, #tpu.memory_space<semaphore_mem>>) src(%dma_wait3A_24 : memref<80x128xi32, #tpu.memory_space<hbm>>) dst(%arg6 : memref<80x128xi32, #tpu.memory_space<vmem>>)
      tpu.yield
    }) : () -> ()
    "tpu.region"() ({
      %run_scoped3A = tpu.sem_alloc : memref<!tpu.dma_semaphore, #tpu.memory_space<semaphore_mem>>
      tpu.enqueue_dma source(%arg3 : memref<128xf32, #tpu.memory_space<hbm>>) target(%arg7 : memref<128xf32, #tpu.memory_space<vmem>>) target_semaphore(%run_scoped3A : memref<!tpu.dma_semaphore, #tpu.memory_space<semaphore_mem>>)
      tpu.wait_dma2 semaphore(%run_scoped3A : memref<!tpu.dma_semaphore, #tpu.memory_space<semaphore_mem>>) src(%arg3 : memref<128xf32, #tpu.memory_space<hbm>>) dst(%arg7 : memref<128xf32, #tpu.memory_space<vmem>>)
      tpu.yield
    }) : () -> ()
    %barrier3A = arith.constant 0 : index
    tpu.barrier barrier_id(%barrier3A)
    %scan3A = arith.constant 0 : i32
    %scan3A_1 = arith.constant 0 : i32
    %scan3A_2 = arith.constant 80 : i32
    %scan3A_3 = arith.addi %scan3A_1, %scan3A_2 : i32
    %scan3A_4 = arith.constant 1 : i32
    scf.for %scan3A_11 = %scan3A_1 to %scan3A_3 step %scan3A_4  : i32 {
      "tpu.region"() ({
        %run_scoped3A = tpu.sem_alloc : memref<!tpu.dma_semaphore, #tpu.memory_space<semaphore_mem>>
        %dma_start3A = arith.constant 0 : i32
        %dma_start3A_12 = tpu.memref_slice %arg6[%scan3A_11, %dma_start3A] : memref<80x128xi32, #tpu.memory_space<vmem>> -> memref<1x128xi32, #tpu.memory_space<vmem>>
        %dma_start3A_13 = tpu.memref_squeeze %dma_start3A_12 : memref<1x128xi32, #tpu.memory_space<vmem>> -> memref<128xi32, #tpu.memory_space<vmem>>
        %dma_start3A_14 = arith.constant 0 : i32
        %dma_start3A_15 = tpu.memref_slice %arg8[%dma_start3A_14] : memref<10240xf32, #tpu.memory_space<vmem_shared>> -> memref<10240xf32, #tpu.memory_space<vmem_shared>>
        tpu.enqueue_indirect_dma source(%arg7 : memref<128xf32, #tpu.memory_space<vmem>>) target(%dma_start3A_15 : memref<10240xf32, #tpu.memory_space<vmem_shared>>) offsets(%dma_start3A_13 : memref<128xi32, #tpu.memory_space<vmem>>) semaphore(%run_scoped3A : memref<!tpu.dma_semaphore, #tpu.memory_space<semaphore_mem>>) {add = true}
        %dma_wait3A = arith.constant 0 : i32
        %dma_wait3A_16 = tpu.memref_slice %arg6[%scan3A_11, %dma_wait3A] : memref<80x128xi32, #tpu.memory_space<vmem>> -> memref<1x128xi32, #tpu.memory_space<vmem>>
        %dma_wait3A_17 = tpu.memref_squeeze %dma_wait3A_16 : memref<1x128xi32, #tpu.memory_space<vmem>> -> memref<128xi32, #tpu.memory_space<vmem>>
        %dma_wait3A_18 = arith.constant 0 : i32
        %dma_wait3A_19 = tpu.memref_slice %arg8[%dma_wait3A_18] : memref<10240xf32, #tpu.memory_space<vmem_shared>> -> memref<10240xf32, #tpu.memory_space<vmem_shared>>
        tpu.wait_indirect_dma semaphore(%run_scoped3A : memref<!tpu.dma_semaphore, #tpu.memory_space<semaphore_mem>>) src(%arg7 : memref<128xf32, #tpu.memory_space<vmem>>) dst(%dma_wait3A_19 : memref<10240xf32, #tpu.memory_space<vmem_shared>>)
        tpu.yield
      }) : () -> ()
    }
    %scan3A_5 = arith.constant 80 : i32
    %barrier3A_6 = arith.constant 0 : index
    tpu.barrier barrier_id(%barrier3A_6)
    %mul3A_7 = arith.constant 640 : i32
    %mul3A_8 = arith.muli %arg1, %mul3A_7 : i32
    %mul3A_9 = arith.constant 640 : i32
    %mul3A_10 = arith.muli %arg1, %mul3A_9 : i32
    "tpu.region"() ({
      %run_scoped3A = tpu.sem_alloc : memref<!tpu.dma_semaphore, #tpu.memory_space<semaphore_mem>>
      %dma_start3A = tpu.memref_slice %arg5[%arg0, %mul3A_10] : memref<2x10240xf32, #tpu.memory_space<hbm>> -> memref<1x640xf32, #tpu.memory_space<hbm>>
      %dma_start3A_11 = tpu.memref_squeeze %dma_start3A : memref<1x640xf32, #tpu.memory_space<hbm>> -> memref<640xf32, #tpu.memory_space<hbm>>
      %dma_start3A_12 = tpu.memref_slice %arg8[%mul3A_8] : memref<10240xf32, #tpu.memory_space<vmem_shared>> -> memref<640xf32, #tpu.memory_space<vmem_shared>>
      tpu.enqueue_dma source(%dma_start3A_12 : memref<640xf32, #tpu.memory_space<vmem_shared>>) target(%dma_start3A_11 : memref<640xf32, #tpu.memory_space<hbm>>) target_semaphore(%run_scoped3A : memref<!tpu.dma_semaphore, #tpu.memory_space<semaphore_mem>>)
      %dma_wait3A = tpu.memref_slice %arg5[%arg0, %mul3A_10] : memref<2x10240xf32, #tpu.memory_space<hbm>> -> memref<1x640xf32, #tpu.memory_space<hbm>>
      %dma_wait3A_13 = tpu.memref_squeeze %dma_wait3A : memref<1x640xf32, #tpu.memory_space<hbm>> -> memref<640xf32, #tpu.memory_space<hbm>>
      %dma_wait3A_14 = tpu.memref_slice %arg8[%mul3A_8] : memref<10240xf32, #tpu.memory_space<vmem_shared>> -> memref<640xf32, #tpu.memory_space<vmem_shared>>
      tpu.wait_dma2 semaphore(%run_scoped3A : memref<!tpu.dma_semaphore, #tpu.memory_space<semaphore_mem>>) src(%dma_wait3A_14 : memref<640xf32, #tpu.memory_space<vmem_shared>>) dst(%dma_wait3A_13 : memref<640xf32, #tpu.memory_space<hbm>>)
      tpu.yield
    }) : () -> ()
    return
  }
}

#map = affine_map<(d0, d1) -> (0, 0)>
#map1 = affine_map<(d0, d1) -> (0, 0, 0, 0)>
#map2 = affine_map<(d0, d1) -> (0, 0, 0)>
module attributes {stable_mosaic.version = 14 : i64} {
  func.func @_agg_body(%arg0: i32, %arg1: i32, %arg2: memref<20000x64xf32, #tpu.memory_space<hbm>>, %arg3: memref<2x16x160x128xi32, #tpu.memory_space<hbm>>, %arg4: memref<16x160x128xi32, #tpu.memory_space<hbm>>, %arg5: memref<640x64xf32, #tpu.memory_space<hbm>>, %arg6: memref<10240x2x64xf32, #tpu.memory_space<hbm>>, %arg7: memref<160x128xi32, #tpu.memory_space<vmem>>, %arg8: memref<160x128xi32, #tpu.memory_space<vmem>>, %arg9: memref<128x64xf32, #tpu.memory_space<vmem>>, %arg10: memref<128x64xf32, #tpu.memory_space<vmem>>, %arg11: memref<128x64xf32, #tpu.memory_space<vmem>>, %arg12: memref<128x64xf32, #tpu.memory_space<vmem>>, %arg13: memref<!tpu.dma_semaphore, #tpu.memory_space<semaphore_mem>>, %arg14: memref<!tpu.dma_semaphore, #tpu.memory_space<semaphore_mem>>, %arg15: memref<!tpu.dma_semaphore, #tpu.memory_space<semaphore_mem>>, %arg16: memref<!tpu.dma_semaphore, #tpu.memory_space<semaphore_mem>>, %arg17: memref<!tpu.dma_semaphore, #tpu.memory_space<semaphore_mem>>, %arg18: memref<!tpu.dma_semaphore, #tpu.memory_space<semaphore_mem>>, %arg19: memref<!tpu.dma_semaphore, #tpu.memory_space<semaphore_mem>>, %arg20: memref<!tpu.dma_semaphore, #tpu.memory_space<semaphore_mem>>, %arg21: memref<10240x64xf32, #tpu.memory_space<vmem_shared>>) attributes {dimension_semantics = [#tpu.dimension_semantics<core_parallel>, #tpu.dimension_semantics<subcore_parallel>], iteration_bounds = array<i64: 2, 16>, scalar_prefetch = 0 : i64, scratch_operands = 15 : i64, tpu.core_type = #tpu.core_type<sc_vector_subcore>, window_params = [{transform_indices = #map}, {transform_indices = #map1}, {transform_indices = #map2}, {transform_indices = #map}, {transform_indices = #map2}]} {
    %mul3A = arith.constant 640 : i32
    %mul3A_0 = arith.muli %arg1, %mul3A : i32
    "tpu.region"() ({
      %run_scoped3A = tpu.sem_alloc : memref<!tpu.dma_semaphore, #tpu.memory_space<semaphore_mem>>
      %dma_start3A_51 = arith.constant 0 : i32
      %dma_start3A_52 = tpu.memref_slice %arg21[%mul3A_0, %dma_start3A_51] : memref<10240x64xf32, #tpu.memory_space<vmem_shared>> -> memref<640x64xf32, #tpu.memory_space<vmem_shared>>
      tpu.enqueue_dma source(%arg5 : memref<640x64xf32, #tpu.memory_space<hbm>>) target(%dma_start3A_52 : memref<640x64xf32, #tpu.memory_space<vmem_shared>>) target_semaphore(%run_scoped3A : memref<!tpu.dma_semaphore, #tpu.memory_space<semaphore_mem>>)
      %dma_wait3A_53 = arith.constant 0 : i32
      %dma_wait3A_54 = tpu.memref_slice %arg21[%mul3A_0, %dma_wait3A_53] : memref<10240x64xf32, #tpu.memory_space<vmem_shared>> -> memref<640x64xf32, #tpu.memory_space<vmem_shared>>
      tpu.wait_dma2 semaphore(%run_scoped3A : memref<!tpu.dma_semaphore, #tpu.memory_space<semaphore_mem>>) src(%arg5 : memref<640x64xf32, #tpu.memory_space<hbm>>) dst(%dma_wait3A_54 : memref<640x64xf32, #tpu.memory_space<vmem_shared>>)
      tpu.yield
    }) : () -> ()
    "tpu.region"() ({
      %run_scoped3A = tpu.sem_alloc : memref<!tpu.dma_semaphore, #tpu.memory_space<semaphore_mem>>
      %dma_start3A_51 = arith.constant 0 : i32
      %dma_start3A_52 = arith.constant 0 : i32
      %dma_start3A_53 = tpu.memref_slice %arg3[%arg0, %arg1, %dma_start3A_51, %dma_start3A_52] : memref<2x16x160x128xi32, #tpu.memory_space<hbm>> -> memref<1x1x160x128xi32, #tpu.memory_space<hbm>>
      %dma_start3A_54 = tpu.memref_squeeze %dma_start3A_53 : memref<1x1x160x128xi32, #tpu.memory_space<hbm>> -> memref<160x128xi32, #tpu.memory_space<hbm>>
      %dma_start3A_55 = arith.constant 0 : i32
      %dma_start3A_56 = arith.constant 0 : i32
      %dma_start3A_57 = tpu.memref_slice %arg3[%arg0, %arg1, %dma_start3A_55, %dma_start3A_56] : memref<2x16x160x128xi32, #tpu.memory_space<hbm>> -> memref<1x1x160x128xi32, #tpu.memory_space<hbm>>
      %dma_start3A_58 = tpu.memref_squeeze %dma_start3A_57 : memref<1x1x160x128xi32, #tpu.memory_space<hbm>> -> memref<160x128xi32, #tpu.memory_space<hbm>>
      tpu.enqueue_dma source(%dma_start3A_58 : memref<160x128xi32, #tpu.memory_space<hbm>>) target(%arg7 : memref<160x128xi32, #tpu.memory_space<vmem>>) target_semaphore(%run_scoped3A : memref<!tpu.dma_semaphore, #tpu.memory_space<semaphore_mem>>)
      %dma_wait3A_59 = arith.constant 0 : i32
      %dma_wait3A_60 = arith.constant 0 : i32
      %dma_wait3A_61 = tpu.memref_slice %arg3[%arg0, %arg1, %dma_wait3A_59, %dma_wait3A_60] : memref<2x16x160x128xi32, #tpu.memory_space<hbm>> -> memref<1x1x160x128xi32, #tpu.memory_space<hbm>>
      %dma_wait3A_62 = tpu.memref_squeeze %dma_wait3A_61 : memref<1x1x160x128xi32, #tpu.memory_space<hbm>> -> memref<160x128xi32, #tpu.memory_space<hbm>>
      %dma_wait3A_63 = arith.constant 0 : i32
      %dma_wait3A_64 = arith.constant 0 : i32
      %dma_wait3A_65 = tpu.memref_slice %arg3[%arg0, %arg1, %dma_wait3A_63, %dma_wait3A_64] : memref<2x16x160x128xi32, #tpu.memory_space<hbm>> -> memref<1x1x160x128xi32, #tpu.memory_space<hbm>>
      %dma_wait3A_66 = tpu.memref_squeeze %dma_wait3A_65 : memref<1x1x160x128xi32, #tpu.memory_space<hbm>> -> memref<160x128xi32, #tpu.memory_space<hbm>>
      tpu.wait_dma2 semaphore(%run_scoped3A : memref<!tpu.dma_semaphore, #tpu.memory_space<semaphore_mem>>) src(%dma_wait3A_66 : memref<160x128xi32, #tpu.memory_space<hbm>>) dst(%arg7 : memref<160x128xi32, #tpu.memory_space<vmem>>)
      tpu.yield
    }) : () -> ()
    "tpu.region"() ({
      %run_scoped3A = tpu.sem_alloc : memref<!tpu.dma_semaphore, #tpu.memory_space<semaphore_mem>>
      %dma_start3A_51 = arith.constant 0 : i32
      %dma_start3A_52 = arith.constant 0 : i32
      %dma_start3A_53 = tpu.memref_slice %arg4[%arg1, %dma_start3A_51, %dma_start3A_52] : memref<16x160x128xi32, #tpu.memory_space<hbm>> -> memref<1x160x128xi32, #tpu.memory_space<hbm>>
      %dma_start3A_54 = tpu.memref_squeeze %dma_start3A_53 : memref<1x160x128xi32, #tpu.memory_space<hbm>> -> memref<160x128xi32, #tpu.memory_space<hbm>>
      %dma_start3A_55 = arith.constant 0 : i32
      %dma_start3A_56 = arith.constant 0 : i32
      %dma_start3A_57 = tpu.memref_slice %arg4[%arg1, %dma_start3A_55, %dma_start3A_56] : memref<16x160x128xi32, #tpu.memory_space<hbm>> -> memref<1x160x128xi32, #tpu.memory_space<hbm>>
      %dma_start3A_58 = tpu.memref_squeeze %dma_start3A_57 : memref<1x160x128xi32, #tpu.memory_space<hbm>> -> memref<160x128xi32, #tpu.memory_space<hbm>>
      tpu.enqueue_dma source(%dma_start3A_58 : memref<160x128xi32, #tpu.memory_space<hbm>>) target(%arg8 : memref<160x128xi32, #tpu.memory_space<vmem>>) target_semaphore(%run_scoped3A : memref<!tpu.dma_semaphore, #tpu.memory_space<semaphore_mem>>)
      %dma_wait3A_59 = arith.constant 0 : i32
      %dma_wait3A_60 = arith.constant 0 : i32
      %dma_wait3A_61 = tpu.memref_slice %arg4[%arg1, %dma_wait3A_59, %dma_wait3A_60] : memref<16x160x128xi32, #tpu.memory_space<hbm>> -> memref<1x160x128xi32, #tpu.memory_space<hbm>>
      %dma_wait3A_62 = tpu.memref_squeeze %dma_wait3A_61 : memref<1x160x128xi32, #tpu.memory_space<hbm>> -> memref<160x128xi32, #tpu.memory_space<hbm>>
      %dma_wait3A_63 = arith.constant 0 : i32
      %dma_wait3A_64 = arith.constant 0 : i32
      %dma_wait3A_65 = tpu.memref_slice %arg4[%arg1, %dma_wait3A_63, %dma_wait3A_64] : memref<16x160x128xi32, #tpu.memory_space<hbm>> -> memref<1x160x128xi32, #tpu.memory_space<hbm>>
      %dma_wait3A_66 = tpu.memref_squeeze %dma_wait3A_65 : memref<1x160x128xi32, #tpu.memory_space<hbm>> -> memref<160x128xi32, #tpu.memory_space<hbm>>
      tpu.wait_dma2 semaphore(%run_scoped3A : memref<!tpu.dma_semaphore, #tpu.memory_space<semaphore_mem>>) src(%dma_wait3A_66 : memref<160x128xi32, #tpu.memory_space<hbm>>) dst(%arg8 : memref<160x128xi32, #tpu.memory_space<vmem>>)
      tpu.yield
    }) : () -> ()
    %barrier3A = arith.constant 0 : index
    tpu.barrier barrier_id(%barrier3A)
    %dma_start3A = arith.constant 0 : i32
    %dma_start3A_1 = arith.constant 0 : i32
    %dma_start3A_2 = tpu.memref_slice %arg7[%dma_start3A, %dma_start3A_1] : memref<160x128xi32, #tpu.memory_space<vmem>> -> memref<1x128xi32, #tpu.memory_space<vmem>>
    %dma_start3A_3 = tpu.memref_squeeze %dma_start3A_2 : memref<1x128xi32, #tpu.memory_space<vmem>> -> memref<128xi32, #tpu.memory_space<vmem>>
    %dma_start3A_4 = arith.constant 0 : i32
    %dma_start3A_5 = arith.constant 0 : i32
    %dma_start3A_6 = tpu.memref_slice %arg2[%dma_start3A_4, %dma_start3A_5] : memref<20000x64xf32, #tpu.memory_space<hbm>> -> memref<20000x64xf32, #tpu.memory_space<hbm>>
    tpu.enqueue_indirect_dma source(%dma_start3A_6 : memref<20000x64xf32, #tpu.memory_space<hbm>>) target(%arg9 : memref<128x64xf32, #tpu.memory_space<vmem>>) offsets(%dma_start3A_3 : memref<128xi32, #tpu.memory_space<vmem>>) semaphore(%arg13 : memref<!tpu.dma_semaphore, #tpu.memory_space<semaphore_mem>>)
    %dma_start3A_7 = arith.constant 1 : i32
    %dma_start3A_8 = arith.constant 0 : i32
    %dma_start3A_9 = tpu.memref_slice %arg7[%dma_start3A_7, %dma_start3A_8] : memref<160x128xi32, #tpu.memory_space<vmem>> -> memref<1x128xi32, #tpu.memory_space<vmem>>
    %dma_start3A_10 = tpu.memref_squeeze %dma_start3A_9 : memref<1x128xi32, #tpu.memory_space<vmem>> -> memref<128xi32, #tpu.memory_space<vmem>>
    %dma_start3A_11 = arith.constant 0 : i32
    %dma_start3A_12 = arith.constant 0 : i32
    %dma_start3A_13 = tpu.memref_slice %arg2[%dma_start3A_11, %dma_start3A_12] : memref<20000x64xf32, #tpu.memory_space<hbm>> -> memref<20000x64xf32, #tpu.memory_space<hbm>>
    tpu.enqueue_indirect_dma source(%dma_start3A_13 : memref<20000x64xf32, #tpu.memory_space<hbm>>) target(%arg10 : memref<128x64xf32, #tpu.memory_space<vmem>>) offsets(%dma_start3A_10 : memref<128xi32, #tpu.memory_space<vmem>>) semaphore(%arg14 : memref<!tpu.dma_semaphore, #tpu.memory_space<semaphore_mem>>)
    %scan3A = arith.constant 0 : i32
    %scan3A_14 = arith.constant 0 : i32
    %scan3A_15 = arith.constant 40 : i32
    %scan3A_16 = arith.addi %scan3A_14, %scan3A_15 : i32
    %scan3A_17 = arith.constant 1 : i32
    scf.for %scan3A_51 = %scan3A_14 to %scan3A_16 step %scan3A_17  : i32 {
      %mul3A_52 = arith.constant 4 : i32
      %mul3A_53 = arith.muli %mul3A_52, %scan3A_51 : i32
      %add3A = arith.constant 0 : i32
      %add3A_54 = arith.addi %mul3A_53, %add3A : i32
      %dma_wait3A_55 = arith.constant 0 : i32
      %dma_wait3A_56 = tpu.memref_slice %arg7[%add3A_54, %dma_wait3A_55] : memref<160x128xi32, #tpu.memory_space<vmem>> -> memref<1x128xi32, #tpu.memory_space<vmem>>
      %dma_wait3A_57 = tpu.memref_squeeze %dma_wait3A_56 : memref<1x128xi32, #tpu.memory_space<vmem>> -> memref<128xi32, #tpu.memory_space<vmem>>
      %dma_wait3A_58 = arith.constant 0 : i32
      %dma_wait3A_59 = arith.constant 0 : i32
      %dma_wait3A_60 = tpu.memref_slice %arg2[%dma_wait3A_58, %dma_wait3A_59] : memref<20000x64xf32, #tpu.memory_space<hbm>> -> memref<20000x64xf32, #tpu.memory_space<hbm>>
      tpu.wait_indirect_dma semaphore(%arg13 : memref<!tpu.dma_semaphore, #tpu.memory_space<semaphore_mem>>) src(%dma_wait3A_60 : memref<20000x64xf32, #tpu.memory_space<hbm>>) dst(%arg9 : memref<128x64xf32, #tpu.memory_space<vmem>>)
      %dma_start3A_61 = arith.constant 0 : i32
      %dma_start3A_62 = tpu.memref_slice %arg8[%add3A_54, %dma_start3A_61] : memref<160x128xi32, #tpu.memory_space<vmem>> -> memref<1x128xi32, #tpu.memory_space<vmem>>
      %dma_start3A_63 = tpu.memref_squeeze %dma_start3A_62 : memref<1x128xi32, #tpu.memory_space<vmem>> -> memref<128xi32, #tpu.memory_space<vmem>>
      %dma_start3A_64 = arith.constant 0 : i32
      %dma_start3A_65 = arith.constant 0 : i32
      %dma_start3A_66 = tpu.memref_slice %arg21[%dma_start3A_64, %dma_start3A_65] : memref<10240x64xf32, #tpu.memory_space<vmem_shared>> -> memref<10240x64xf32, #tpu.memory_space<vmem_shared>>
      tpu.enqueue_indirect_dma source(%arg9 : memref<128x64xf32, #tpu.memory_space<vmem>>) target(%dma_start3A_66 : memref<10240x64xf32, #tpu.memory_space<vmem_shared>>) offsets(%dma_start3A_63 : memref<128xi32, #tpu.memory_space<vmem>>) semaphore(%arg17 : memref<!tpu.dma_semaphore, #tpu.memory_space<semaphore_mem>>) {add = true}
      %sub3A = arith.constant 2 : i32
      %sub3A_67 = arith.subi %add3A_54, %sub3A : i32
      %max3A = arith.constant 0 : i32
      %max3A_68 = arith.maxsi %sub3A_67, %max3A : i32
      %gt3A = arith.constant 0 : i32
      %gt3A_69 = arith.cmpi sgt, %scan3A_51, %gt3A : i32
      %convert_element_type3A = arith.extui %gt3A_69 : i1 to i32
      %cond3A = arith.constant 0 : i32
      %cond3A_70 = arith.cmpi ne, %convert_element_type3A, %cond3A : i32
      scf.if %cond3A_70 {
        %dma_wait3A_187 = arith.constant 0 : i32
        %dma_wait3A_188 = tpu.memref_slice %arg8[%max3A_68, %dma_wait3A_187] : memref<160x128xi32, #tpu.memory_space<vmem>> -> memref<1x128xi32, #tpu.memory_space<vmem>>
        %dma_wait3A_189 = tpu.memref_squeeze %dma_wait3A_188 : memref<1x128xi32, #tpu.memory_space<vmem>> -> memref<128xi32, #tpu.memory_space<vmem>>
        %dma_wait3A_190 = arith.constant 0 : i32
        %dma_wait3A_191 = arith.constant 0 : i32
        %dma_wait3A_192 = tpu.memref_slice %arg21[%dma_wait3A_190, %dma_wait3A_191] : memref<10240x64xf32, #tpu.memory_space<vmem_shared>> -> memref<10240x64xf32, #tpu.memory_space<vmem_shared>>
        tpu.wait_indirect_dma semaphore(%arg19 : memref<!tpu.dma_semaphore, #tpu.memory_space<semaphore_mem>>) src(%arg11 : memref<128x64xf32, #tpu.memory_space<vmem>>) dst(%dma_wait3A_192 : memref<10240x64xf32, #tpu.memory_space<vmem_shared>>)
      } else {
      }
      %add3A_71 = arith.constant 2 : i32
      %add3A_72 = arith.addi %add3A_54, %add3A_71 : i32
      %min3A = arith.constant 159 : i32
      %min3A_73 = arith.minsi %add3A_72, %min3A : i32
      %dma_start3A_74 = arith.constant 0 : i32
      %dma_start3A_75 = tpu.memref_slice %arg7[%min3A_73, %dma_start3A_74] : memref<160x128xi32, #tpu.memory_space<vmem>> -> memref<1x128xi32, #tpu.memory_space<vmem>>
      %dma_start3A_76 = tpu.memref_squeeze %dma_start3A_75 : memref<1x128xi32, #tpu.memory_space<vmem>> -> memref<128xi32, #tpu.memory_space<vmem>>
      %dma_start3A_77 = arith.constant 0 : i32
      %dma_start3A_78 = arith.constant 0 : i32
      %dma_start3A_79 = tpu.memref_slice %arg2[%dma_start3A_77, %dma_start3A_78] : memref<20000x64xf32, #tpu.memory_space<hbm>> -> memref<20000x64xf32, #tpu.memory_space<hbm>>
      tpu.enqueue_indirect_dma source(%dma_start3A_79 : memref<20000x64xf32, #tpu.memory_space<hbm>>) target(%arg11 : memref<128x64xf32, #tpu.memory_space<vmem>>) offsets(%dma_start3A_76 : memref<128xi32, #tpu.memory_space<vmem>>) semaphore(%arg15 : memref<!tpu.dma_semaphore, #tpu.memory_space<semaphore_mem>>)
      %mul3A_80 = arith.constant 4 : i32
      %mul3A_81 = arith.muli %mul3A_80, %scan3A_51 : i32
      %add3A_82 = arith.constant 1 : i32
      %add3A_83 = arith.addi %mul3A_81, %add3A_82 : i32
      %dma_wait3A_84 = arith.constant 0 : i32
      %dma_wait3A_85 = tpu.memref_slice %arg7[%add3A_83, %dma_wait3A_84] : memref<160x128xi32, #tpu.memory_space<vmem>> -> memref<1x128xi32, #tpu.memory_space<vmem>>
      %dma_wait3A_86 = tpu.memref_squeeze %dma_wait3A_85 : memref<1x128xi32, #tpu.memory_space<vmem>> -> memref<128xi32, #tpu.memory_space<vmem>>
      %dma_wait3A_87 = arith.constant 0 : i32
      %dma_wait3A_88 = arith.constant 0 : i32
      %dma_wait3A_89 = tpu.memref_slice %arg2[%dma_wait3A_87, %dma_wait3A_88] : memref<20000x64xf32, #tpu.memory_space<hbm>> -> memref<20000x64xf32, #tpu.memory_space<hbm>>
      tpu.wait_indirect_dma semaphore(%arg14 : memref<!tpu.dma_semaphore, #tpu.memory_space<semaphore_mem>>) src(%dma_wait3A_89 : memref<20000x64xf32, #tpu.memory_space<hbm>>) dst(%arg10 : memref<128x64xf32, #tpu.memory_space<vmem>>)
      %dma_start3A_90 = arith.constant 0 : i32
      %dma_start3A_91 = tpu.memref_slice %arg8[%add3A_83, %dma_start3A_90] : memref<160x128xi32, #tpu.memory_space<vmem>> -> memref<1x128xi32, #tpu.memory_space<vmem>>
      %dma_start3A_92 = tpu.memref_squeeze %dma_start3A_91 : memref<1x128xi32, #tpu.memory_space<vmem>> -> memref<128xi32, #tpu.memory_space<vmem>>
      %dma_start3A_93 = arith.constant 0 : i32
      %dma_start3A_94 = arith.constant 0 : i32
      %dma_start3A_95 = tpu.memref_slice %arg21[%dma_start3A_93, %dma_start3A_94] : memref<10240x64xf32, #tpu.memory_space<vmem_shared>> -> memref<10240x64xf32, #tpu.memory_space<vmem_shared>>
      tpu.enqueue_indirect_dma source(%arg10 : memref<128x64xf32, #tpu.memory_space<vmem>>) target(%dma_start3A_95 : memref<10240x64xf32, #tpu.memory_space<vmem_shared>>) offsets(%dma_start3A_92 : memref<128xi32, #tpu.memory_space<vmem>>) semaphore(%arg18 : memref<!tpu.dma_semaphore, #tpu.memory_space<semaphore_mem>>) {add = true}
      %sub3A_96 = arith.constant 2 : i32
      %sub3A_97 = arith.subi %add3A_83, %sub3A_96 : i32
      %max3A_98 = arith.constant 0 : i32
      %max3A_99 = arith.maxsi %sub3A_97, %max3A_98 : i32
      %gt3A_100 = arith.constant 0 : i32
      %gt3A_101 = arith.cmpi sgt, %scan3A_51, %gt3A_100 : i32
      %convert_element_type3A_102 = arith.extui %gt3A_101 : i1 to i32
      %cond3A_103 = arith.constant 0 : i32
      %cond3A_104 = arith.cmpi ne, %convert_element_type3A_102, %cond3A_103 : i32
      scf.if %cond3A_104 {
        %dma_wait3A_187 = arith.constant 0 : i32
        %dma_wait3A_188 = tpu.memref_slice %arg8[%max3A_99, %dma_wait3A_187] : memref<160x128xi32, #tpu.memory_space<vmem>> -> memref<1x128xi32, #tpu.memory_space<vmem>>
        %dma_wait3A_189 = tpu.memref_squeeze %dma_wait3A_188 : memref<1x128xi32, #tpu.memory_space<vmem>> -> memref<128xi32, #tpu.memory_space<vmem>>
        %dma_wait3A_190 = arith.constant 0 : i32
        %dma_wait3A_191 = arith.constant 0 : i32
        %dma_wait3A_192 = tpu.memref_slice %arg21[%dma_wait3A_190, %dma_wait3A_191] : memref<10240x64xf32, #tpu.memory_space<vmem_shared>> -> memref<10240x64xf32, #tpu.memory_space<vmem_shared>>
        tpu.wait_indirect_dma semaphore(%arg20 : memref<!tpu.dma_semaphore, #tpu.memory_space<semaphore_mem>>) src(%arg12 : memref<128x64xf32, #tpu.memory_space<vmem>>) dst(%dma_wait3A_192 : memref<10240x64xf32, #tpu.memory_space<vmem_shared>>)
      } else {
      }
      %add3A_105 = arith.constant 2 : i32
      %add3A_106 = arith.addi %add3A_83, %add3A_105 : i32
      %min3A_107 = arith.constant 159 : i32
      %min3A_108 = arith.minsi %add3A_106, %min3A_107 : i32
      %dma_start3A_109 = arith.constant 0 : i32
      %dma_start3A_110 = tpu.memref_slice %arg7[%min3A_108, %dma_start3A_109] : memref<160x128xi32, #tpu.memory_space<vmem>> -> memref<1x128xi32, #tpu.memory_space<vmem>>
      %dma_start3A_111 = tpu.memref_squeeze %dma_start3A_110 : memref<1x128xi32, #tpu.memory_space<vmem>> -> memref<128xi32, #tpu.memory_space<vmem>>
      %dma_start3A_112 = arith.constant 0 : i32
      %dma_start3A_113 = arith.constant 0 : i32
      %dma_start3A_114 = tpu.memref_slice %arg2[%dma_start3A_112, %dma_start3A_113] : memref<20000x64xf32, #tpu.memory_space<hbm>> -> memref<20000x64xf32, #tpu.memory_space<hbm>>
      tpu.enqueue_indirect_dma source(%dma_start3A_114 : memref<20000x64xf32, #tpu.memory_space<hbm>>) target(%arg12 : memref<128x64xf32, #tpu.memory_space<vmem>>) offsets(%dma_start3A_111 : memref<128xi32, #tpu.memory_space<vmem>>) semaphore(%arg16 : memref<!tpu.dma_semaphore, #tpu.memory_space<semaphore_mem>>)
      %mul3A_115 = arith.constant 4 : i32
      %mul3A_116 = arith.muli %mul3A_115, %scan3A_51 : i32
      %add3A_117 = arith.constant 2 : i32
      %add3A_118 = arith.addi %mul3A_116, %add3A_117 : i32
      %dma_wait3A_119 = arith.constant 0 : i32
      %dma_wait3A_120 = tpu.memref_slice %arg7[%add3A_118, %dma_wait3A_119] : memref<160x128xi32, #tpu.memory_space<vmem>> -> memref<1x128xi32, #tpu.memory_space<vmem>>
      %dma_wait3A_121 = tpu.memref_squeeze %dma_wait3A_120 : memref<1x128xi32, #tpu.memory_space<vmem>> -> memref<128xi32, #tpu.memory_space<vmem>>
      %dma_wait3A_122 = arith.constant 0 : i32
      %dma_wait3A_123 = arith.constant 0 : i32
      %dma_wait3A_124 = tpu.memref_slice %arg2[%dma_wait3A_122, %dma_wait3A_123] : memref<20000x64xf32, #tpu.memory_space<hbm>> -> memref<20000x64xf32, #tpu.memory_space<hbm>>
      tpu.wait_indirect_dma semaphore(%arg15 : memref<!tpu.dma_semaphore, #tpu.memory_space<semaphore_mem>>) src(%dma_wait3A_124 : memref<20000x64xf32, #tpu.memory_space<hbm>>) dst(%arg11 : memref<128x64xf32, #tpu.memory_space<vmem>>)
      %dma_start3A_125 = arith.constant 0 : i32
      %dma_start3A_126 = tpu.memref_slice %arg8[%add3A_118, %dma_start3A_125] : memref<160x128xi32, #tpu.memory_space<vmem>> -> memref<1x128xi32, #tpu.memory_space<vmem>>
      %dma_start3A_127 = tpu.memref_squeeze %dma_start3A_126 : memref<1x128xi32, #tpu.memory_space<vmem>> -> memref<128xi32, #tpu.memory_space<vmem>>
      %dma_start3A_128 = arith.constant 0 : i32
      %dma_start3A_129 = arith.constant 0 : i32
      %dma_start3A_130 = tpu.memref_slice %arg21[%dma_start3A_128, %dma_start3A_129] : memref<10240x64xf32, #tpu.memory_space<vmem_shared>> -> memref<10240x64xf32, #tpu.memory_space<vmem_shared>>
      tpu.enqueue_indirect_dma source(%arg11 : memref<128x64xf32, #tpu.memory_space<vmem>>) target(%dma_start3A_130 : memref<10240x64xf32, #tpu.memory_space<vmem_shared>>) offsets(%dma_start3A_127 : memref<128xi32, #tpu.memory_space<vmem>>) semaphore(%arg19 : memref<!tpu.dma_semaphore, #tpu.memory_space<semaphore_mem>>) {add = true}
      %sub3A_131 = arith.constant 2 : i32
      %sub3A_132 = arith.subi %add3A_118, %sub3A_131 : i32
      %max3A_133 = arith.constant 0 : i32
      %max3A_134 = arith.maxsi %sub3A_132, %max3A_133 : i32
      %dma_wait3A_135 = arith.constant 0 : i32
      %dma_wait3A_136 = tpu.memref_slice %arg8[%max3A_134, %dma_wait3A_135] : memref<160x128xi32, #tpu.memory_space<vmem>> -> memref<1x128xi32, #tpu.memory_space<vmem>>
      %dma_wait3A_137 = tpu.memref_squeeze %dma_wait3A_136 : memref<1x128xi32, #tpu.memory_space<vmem>> -> memref<128xi32, #tpu.memory_space<vmem>>
      %dma_wait3A_138 = arith.constant 0 : i32
      %dma_wait3A_139 = arith.constant 0 : i32
      %dma_wait3A_140 = tpu.memref_slice %arg21[%dma_wait3A_138, %dma_wait3A_139] : memref<10240x64xf32, #tpu.memory_space<vmem_shared>> -> memref<10240x64xf32, #tpu.memory_space<vmem_shared>>
      tpu.wait_indirect_dma semaphore(%arg17 : memref<!tpu.dma_semaphore, #tpu.memory_space<semaphore_mem>>) src(%arg9 : memref<128x64xf32, #tpu.memory_space<vmem>>) dst(%dma_wait3A_140 : memref<10240x64xf32, #tpu.memory_space<vmem_shared>>)
      %add3A_141 = arith.constant 2 : i32
      %add3A_142 = arith.addi %add3A_118, %add3A_141 : i32
      %min3A_143 = arith.constant 159 : i32
      %min3A_144 = arith.minsi %add3A_142, %min3A_143 : i32
      %dma_start3A_145 = arith.constant 0 : i32
      %dma_start3A_146 = tpu.memref_slice %arg7[%min3A_144, %dma_start3A_145] : memref<160x128xi32, #tpu.memory_space<vmem>> -> memref<1x128xi32, #tpu.memory_space<vmem>>
      %dma_start3A_147 = tpu.memref_squeeze %dma_start3A_146 : memref<1x128xi32, #tpu.memory_space<vmem>> -> memref<128xi32, #tpu.memory_space<vmem>>
      %dma_start3A_148 = arith.constant 0 : i32
      %dma_start3A_149 = arith.constant 0 : i32
      %dma_start3A_150 = tpu.memref_slice %arg2[%dma_start3A_148, %dma_start3A_149] : memref<20000x64xf32, #tpu.memory_space<hbm>> -> memref<20000x64xf32, #tpu.memory_space<hbm>>
      tpu.enqueue_indirect_dma source(%dma_start3A_150 : memref<20000x64xf32, #tpu.memory_space<hbm>>) target(%arg9 : memref<128x64xf32, #tpu.memory_space<vmem>>) offsets(%dma_start3A_147 : memref<128xi32, #tpu.memory_space<vmem>>) semaphore(%arg13 : memref<!tpu.dma_semaphore, #tpu.memory_space<semaphore_mem>>)
      %mul3A_151 = arith.constant 4 : i32
      %mul3A_152 = arith.muli %mul3A_151, %scan3A_51 : i32
      %add3A_153 = arith.constant 3 : i32
      %add3A_154 = arith.addi %mul3A_152, %add3A_153 : i32
      %dma_wait3A_155 = arith.constant 0 : i32
      %dma_wait3A_156 = tpu.memref_slice %arg7[%add3A_154, %dma_wait3A_155] : memref<160x128xi32, #tpu.memory_space<vmem>> -> memref<1x128xi32, #tpu.memory_space<vmem>>
      %dma_wait3A_157 = tpu.memref_squeeze %dma_wait3A_156 : memref<1x128xi32, #tpu.memory_space<vmem>> -> memref<128xi32, #tpu.memory_space<vmem>>
      %dma_wait3A_158 = arith.constant 0 : i32
      %dma_wait3A_159 = arith.constant 0 : i32
      %dma_wait3A_160 = tpu.memref_slice %arg2[%dma_wait3A_158, %dma_wait3A_159] : memref<20000x64xf32, #tpu.memory_space<hbm>> -> memref<20000x64xf32, #tpu.memory_space<hbm>>
      tpu.wait_indirect_dma semaphore(%arg16 : memref<!tpu.dma_semaphore, #tpu.memory_space<semaphore_mem>>) src(%dma_wait3A_160 : memref<20000x64xf32, #tpu.memory_space<hbm>>) dst(%arg12 : memref<128x64xf32, #tpu.memory_space<vmem>>)
      %dma_start3A_161 = arith.constant 0 : i32
      %dma_start3A_162 = tpu.memref_slice %arg8[%add3A_154, %dma_start3A_161] : memref<160x128xi32, #tpu.memory_space<vmem>> -> memref<1x128xi32, #tpu.memory_space<vmem>>
      %dma_start3A_163 = tpu.memref_squeeze %dma_start3A_162 : memref<1x128xi32, #tpu.memory_space<vmem>> -> memref<128xi32, #tpu.memory_space<vmem>>
      %dma_start3A_164 = arith.constant 0 : i32
      %dma_start3A_165 = arith.constant 0 : i32
      %dma_start3A_166 = tpu.memref_slice %arg21[%dma_start3A_164, %dma_start3A_165] : memref<10240x64xf32, #tpu.memory_space<vmem_shared>> -> memref<10240x64xf32, #tpu.memory_space<vmem_shared>>
      tpu.enqueue_indirect_dma source(%arg12 : memref<128x64xf32, #tpu.memory_space<vmem>>) target(%dma_start3A_166 : memref<10240x64xf32, #tpu.memory_space<vmem_shared>>) offsets(%dma_start3A_163 : memref<128xi32, #tpu.memory_space<vmem>>) semaphore(%arg20 : memref<!tpu.dma_semaphore, #tpu.memory_space<semaphore_mem>>) {add = true}
      %sub3A_167 = arith.constant 2 : i32
      %sub3A_168 = arith.subi %add3A_154, %sub3A_167 : i32
      %max3A_169 = arith.constant 0 : i32
      %max3A_170 = arith.maxsi %sub3A_168, %max3A_169 : i32
      %dma_wait3A_171 = arith.constant 0 : i32
      %dma_wait3A_172 = tpu.memref_slice %arg8[%max3A_170, %dma_wait3A_171] : memref<160x128xi32, #tpu.memory_space<vmem>> -> memref<1x128xi32, #tpu.memory_space<vmem>>
      %dma_wait3A_173 = tpu.memref_squeeze %dma_wait3A_172 : memref<1x128xi32, #tpu.memory_space<vmem>> -> memref<128xi32, #tpu.memory_space<vmem>>
      %dma_wait3A_174 = arith.constant 0 : i32
      %dma_wait3A_175 = arith.constant 0 : i32
      %dma_wait3A_176 = tpu.memref_slice %arg21[%dma_wait3A_174, %dma_wait3A_175] : memref<10240x64xf32, #tpu.memory_space<vmem_shared>> -> memref<10240x64xf32, #tpu.memory_space<vmem_shared>>
      tpu.wait_indirect_dma semaphore(%arg18 : memref<!tpu.dma_semaphore, #tpu.memory_space<semaphore_mem>>) src(%arg10 : memref<128x64xf32, #tpu.memory_space<vmem>>) dst(%dma_wait3A_176 : memref<10240x64xf32, #tpu.memory_space<vmem_shared>>)
      %add3A_177 = arith.constant 2 : i32
      %add3A_178 = arith.addi %add3A_154, %add3A_177 : i32
      %min3A_179 = arith.constant 159 : i32
      %min3A_180 = arith.minsi %add3A_178, %min3A_179 : i32
      %dma_start3A_181 = arith.constant 0 : i32
      %dma_start3A_182 = tpu.memref_slice %arg7[%min3A_180, %dma_start3A_181] : memref<160x128xi32, #tpu.memory_space<vmem>> -> memref<1x128xi32, #tpu.memory_space<vmem>>
      %dma_start3A_183 = tpu.memref_squeeze %dma_start3A_182 : memref<1x128xi32, #tpu.memory_space<vmem>> -> memref<128xi32, #tpu.memory_space<vmem>>
      %dma_start3A_184 = arith.constant 0 : i32
      %dma_start3A_185 = arith.constant 0 : i32
      %dma_start3A_186 = tpu.memref_slice %arg2[%dma_start3A_184, %dma_start3A_185] : memref<20000x64xf32, #tpu.memory_space<hbm>> -> memref<20000x64xf32, #tpu.memory_space<hbm>>
      tpu.enqueue_indirect_dma source(%dma_start3A_186 : memref<20000x64xf32, #tpu.memory_space<hbm>>) target(%arg10 : memref<128x64xf32, #tpu.memory_space<vmem>>) offsets(%dma_start3A_183 : memref<128xi32, #tpu.memory_space<vmem>>) semaphore(%arg14 : memref<!tpu.dma_semaphore, #tpu.memory_space<semaphore_mem>>)
    }
    %scan3A_18 = arith.constant 40 : i32
    %dma_wait3A = arith.constant 158 : i32
    %dma_wait3A_19 = arith.constant 0 : i32
    %dma_wait3A_20 = tpu.memref_slice %arg8[%dma_wait3A, %dma_wait3A_19] : memref<160x128xi32, #tpu.memory_space<vmem>> -> memref<1x128xi32, #tpu.memory_space<vmem>>
    %dma_wait3A_21 = tpu.memref_squeeze %dma_wait3A_20 : memref<1x128xi32, #tpu.memory_space<vmem>> -> memref<128xi32, #tpu.memory_space<vmem>>
    %dma_wait3A_22 = arith.constant 0 : i32
    %dma_wait3A_23 = arith.constant 0 : i32
    %dma_wait3A_24 = tpu.memref_slice %arg21[%dma_wait3A_22, %dma_wait3A_23] : memref<10240x64xf32, #tpu.memory_space<vmem_shared>> -> memref<10240x64xf32, #tpu.memory_space<vmem_shared>>
    tpu.wait_indirect_dma semaphore(%arg19 : memref<!tpu.dma_semaphore, #tpu.memory_space<semaphore_mem>>) src(%arg11 : memref<128x64xf32, #tpu.memory_space<vmem>>) dst(%dma_wait3A_24 : memref<10240x64xf32, #tpu.memory_space<vmem_shared>>)
    %dma_wait3A_25 = arith.constant 159 : i32
    %dma_wait3A_26 = arith.constant 0 : i32
    %dma_wait3A_27 = tpu.memref_slice %arg8[%dma_wait3A_25, %dma_wait3A_26] : memref<160x128xi32, #tpu.memory_space<vmem>> -> memref<1x128xi32, #tpu.memory_space<vmem>>
    %dma_wait3A_28 = tpu.memref_squeeze %dma_wait3A_27 : memref<1x128xi32, #tpu.memory_space<vmem>> -> memref<128xi32, #tpu.memory_space<vmem>>
    %dma_wait3A_29 = arith.constant 0 : i32
    %dma_wait3A_30 = arith.constant 0 : i32
    %dma_wait3A_31 = tpu.memref_slice %arg21[%dma_wait3A_29, %dma_wait3A_30] : memref<10240x64xf32, #tpu.memory_space<vmem_shared>> -> memref<10240x64xf32, #tpu.memory_space<vmem_shared>>
    tpu.wait_indirect_dma semaphore(%arg20 : memref<!tpu.dma_semaphore, #tpu.memory_space<semaphore_mem>>) src(%arg12 : memref<128x64xf32, #tpu.memory_space<vmem>>) dst(%dma_wait3A_31 : memref<10240x64xf32, #tpu.memory_space<vmem_shared>>)
    %dma_wait3A_32 = arith.constant 159 : i32
    %dma_wait3A_33 = arith.constant 0 : i32
    %dma_wait3A_34 = tpu.memref_slice %arg7[%dma_wait3A_32, %dma_wait3A_33] : memref<160x128xi32, #tpu.memory_space<vmem>> -> memref<1x128xi32, #tpu.memory_space<vmem>>
    %dma_wait3A_35 = tpu.memref_squeeze %dma_wait3A_34 : memref<1x128xi32, #tpu.memory_space<vmem>> -> memref<128xi32, #tpu.memory_space<vmem>>
    %dma_wait3A_36 = arith.constant 0 : i32
    %dma_wait3A_37 = arith.constant 0 : i32
    %dma_wait3A_38 = tpu.memref_slice %arg2[%dma_wait3A_36, %dma_wait3A_37] : memref<20000x64xf32, #tpu.memory_space<hbm>> -> memref<20000x64xf32, #tpu.memory_space<hbm>>
    tpu.wait_indirect_dma semaphore(%arg13 : memref<!tpu.dma_semaphore, #tpu.memory_space<semaphore_mem>>) src(%dma_wait3A_38 : memref<20000x64xf32, #tpu.memory_space<hbm>>) dst(%arg9 : memref<128x64xf32, #tpu.memory_space<vmem>>)
    %dma_wait3A_39 = arith.constant 159 : i32
    %dma_wait3A_40 = arith.constant 0 : i32
    %dma_wait3A_41 = tpu.memref_slice %arg7[%dma_wait3A_39, %dma_wait3A_40] : memref<160x128xi32, #tpu.memory_space<vmem>> -> memref<1x128xi32, #tpu.memory_space<vmem>>
    %dma_wait3A_42 = tpu.memref_squeeze %dma_wait3A_41 : memref<1x128xi32, #tpu.memory_space<vmem>> -> memref<128xi32, #tpu.memory_space<vmem>>
    %dma_wait3A_43 = arith.constant 0 : i32
    %dma_wait3A_44 = arith.constant 0 : i32
    %dma_wait3A_45 = tpu.memref_slice %arg2[%dma_wait3A_43, %dma_wait3A_44] : memref<20000x64xf32, #tpu.memory_space<hbm>> -> memref<20000x64xf32, #tpu.memory_space<hbm>>
    tpu.wait_indirect_dma semaphore(%arg14 : memref<!tpu.dma_semaphore, #tpu.memory_space<semaphore_mem>>) src(%dma_wait3A_45 : memref<20000x64xf32, #tpu.memory_space<hbm>>) dst(%arg10 : memref<128x64xf32, #tpu.memory_space<vmem>>)
    %barrier3A_46 = arith.constant 0 : index
    tpu.barrier barrier_id(%barrier3A_46)
    %mul3A_47 = arith.constant 640 : i32
    %mul3A_48 = arith.muli %arg1, %mul3A_47 : i32
    %mul3A_49 = arith.constant 640 : i32
    %mul3A_50 = arith.muli %arg1, %mul3A_49 : i32
    "tpu.region"() ({
      %run_scoped3A = tpu.sem_alloc : memref<!tpu.dma_semaphore, #tpu.memory_space<semaphore_mem>>
      %dma_start3A_51 = arith.constant 0 : i32
      %dma_start3A_52 = tpu.memref_slice %arg6[%mul3A_50, %arg0, %dma_start3A_51] : memref<10240x2x64xf32, #tpu.memory_space<hbm>> -> memref<640x1x64xf32, #tpu.memory_space<hbm>>
      %dma_start3A_53 = tpu.memref_squeeze %dma_start3A_52 : memref<640x1x64xf32, #tpu.memory_space<hbm>> -> memref<640x64xf32, #tpu.memory_space<hbm>>
      %dma_start3A_54 = arith.constant 0 : i32
      %dma_start3A_55 = tpu.memref_slice %arg21[%mul3A_48, %dma_start3A_54] : memref<10240x64xf32, #tpu.memory_space<vmem_shared>> -> memref<640x64xf32, #tpu.memory_space<vmem_shared>>
      tpu.enqueue_dma source(%dma_start3A_55 : memref<640x64xf32, #tpu.memory_space<vmem_shared>>) target(%dma_start3A_53 : memref<640x64xf32, #tpu.memory_space<hbm>>) target_semaphore(%run_scoped3A : memref<!tpu.dma_semaphore, #tpu.memory_space<semaphore_mem>>)
      %dma_wait3A_56 = arith.constant 0 : i32
      %dma_wait3A_57 = tpu.memref_slice %arg6[%mul3A_50, %arg0, %dma_wait3A_56] : memref<10240x2x64xf32, #tpu.memory_space<hbm>> -> memref<640x1x64xf32, #tpu.memory_space<hbm>>
      %dma_wait3A_58 = tpu.memref_squeeze %dma_wait3A_57 : memref<640x1x64xf32, #tpu.memory_space<hbm>> -> memref<640x64xf32, #tpu.memory_space<hbm>>
      %dma_wait3A_59 = arith.constant 0 : i32
      %dma_wait3A_60 = tpu.memref_slice %arg21[%mul3A_48, %dma_wait3A_59] : memref<10240x64xf32, #tpu.memory_space<vmem_shared>> -> memref<640x64xf32, #tpu.memory_space<vmem_shared>>
      tpu.wait_dma2 semaphore(%run_scoped3A : memref<!tpu.dma_semaphore, #tpu.memory_space<semaphore_mem>>) src(%dma_wait3A_60 : memref<640x64xf32, #tpu.memory_space<vmem_shared>>) dst(%dma_wait3A_58 : memref<640x64xf32, #tpu.memory_space<hbm>>)
      tpu.yield
    }) : () -> ()
    return
  }
}

module attributes {stable_mosaic.version = 14 : i64} {
  func.func @_tc_first_body(%arg0: i32, %arg1: memref<2000x128xf32, #tpu.memory_space<vmem>>, %arg2: memref<128x128xf32, #tpu.memory_space<vmem>>, %arg3: memref<2000x1xf32, #tpu.memory_space<vmem>>, %arg4: memref<2000x128xf32, #tpu.memory_space<vmem>>) attributes {dimension_semantics = [#tpu.dimension_semantics<arbitrary>], iteration_bounds = array<i64: 5>, scalar_prefetch = 0 : i64, scratch_operands = 0 : i64, tpu.core_type = #tpu.core_type<tc>, window_params = [{transform_indices = @transform_0, window_bounds = array<i64: 2000, 128>}, {pipeline_mode = #tpu.pipeline_mode<synchronous>, transform_indices = @transform_1, window_bounds = array<i64: 128, 128>}, {transform_indices = @transform_2, window_bounds = array<i64: 2000, 1>}, {transform_indices = @transform_3, window_bounds = array<i64: 2000, 128>}]} {
    %get3A = arith.constant 0 : index
    %get3A_0 = arith.constant 0 : index
    %get3A_1 = vector.load %arg3[%get3A, %get3A_0] : memref<2000x1xf32, #tpu.memory_space<vmem>>, vector<2000x1xf32>
    %rsqrt3A = math.rsqrt %get3A_1 : vector<2000x1xf32>
    %get3A_2 = arith.constant 0 : index
    %get3A_3 = arith.constant 0 : index
    %get3A_4 = vector.load %arg1[%get3A_2, %get3A_3] : memref<2000x128xf32, #tpu.memory_space<vmem>>, vector<2000x128xf32>
    %get3A_5 = arith.constant 0 : index
    %get3A_6 = arith.constant 0 : index
    %get3A_7 = vector.load %arg2[%get3A_5, %get3A_6] : memref<128x128xf32, #tpu.memory_space<vmem>>, vector<128x128xf32>
    %dot_general3A = arith.constant dense<0.000000e+00> : vector<2000x128xf32>
    %dot_general3A_8 = tpu.matmul %get3A_4, %get3A_7, %dot_general3A {dimension_numbers = #tpu.dot_dimension_numbers<[1], [0], [0], [1], [0, 0, 1, 1], [], []>, transpose_lhs_hint = false} : vector<2000x128xf32>, vector<128x128xf32>, vector<2000x128xf32> -> vector<2000x128xf32>
    %mul3A = vector.broadcast %rsqrt3A : vector<2000x1xf32> to vector<2000x128xf32>
    %mul3A_9 = arith.mulf %dot_general3A_8, %mul3A : vector<2000x128xf32>
    %swap3A = arith.constant 0 : index
    %swap3A_10 = arith.constant 0 : index
    %swap3A_11 = vector.load %arg4[%swap3A, %swap3A_10] : memref<2000x128xf32, #tpu.memory_space<vmem>>, vector<2000x128xf32>
    tpu.vector_store %arg4[%swap3A, %swap3A_10], %mul3A_9 {strides = array<i32>} : memref<2000x128xf32, #tpu.memory_space<vmem>>, vector<2000x128xf32>,
    return
  }
  func.func @transform_0(%arg0: i32) -> (i32, i32) {
    %c0_i32 = arith.constant 0 : i32
    %c0_i32_0 = arith.constant 0 : i32
    return %arg0, %c0_i32 : i32, i32
  }
  func.func @transform_1(%arg0: i32) -> (i32, i32) {
    %c0_i32 = arith.constant 0 : i32
    %c0_i32_0 = arith.constant 0 : i32
    %c0_i32_1 = arith.constant 0 : i32
    return %c0_i32, %c0_i32_0 : i32, i32
  }
  func.func @transform_2(%arg0: i32) -> (i32, i32) {
    %c0_i32 = arith.constant 0 : i32
    %c0_i32_0 = arith.constant 0 : i32
    return %arg0, %c0_i32 : i32, i32
  }
  func.func @transform_3(%arg0: i32) -> (i32, i32) {
    %c0_i32 = arith.constant 0 : i32
    %c0_i32_0 = arith.constant 0 : i32
    return %arg0, %c0_i32 : i32, i32
  }
}

module attributes {stable_mosaic.version = 14 : i64} {
  func.func @_tc_mid_body(%arg0: i32, %arg1: memref<2000x128xf32, #tpu.memory_space<vmem>>, %arg2: memref<2000x128xf32, #tpu.memory_space<vmem>>, %arg3: memref<2000x1xf32, #tpu.memory_space<vmem>>, %arg4: memref<1x128xf32, #tpu.memory_space<vmem>>, %arg5: memref<128x128xf32, #tpu.memory_space<vmem>>, %arg6: memref<2000x128xf32, #tpu.memory_space<vmem>>) attributes {dimension_semantics = [#tpu.dimension_semantics<arbitrary>], iteration_bounds = array<i64: 5>, scalar_prefetch = 0 : i64, scratch_operands = 0 : i64, tpu.core_type = #tpu.core_type<tc>, window_params = [{transform_indices = @transform_0, window_bounds = array<i64: 2000, 128>}, {transform_indices = @transform_1, window_bounds = array<i64: 2000, 128>}, {transform_indices = @transform_2, window_bounds = array<i64: 2000, 1>}, {pipeline_mode = #tpu.pipeline_mode<synchronous>, transform_indices = @transform_3, window_bounds = array<i64: 1, 128>}, {pipeline_mode = #tpu.pipeline_mode<synchronous>, transform_indices = @transform_4, window_bounds = array<i64: 128, 128>}, {transform_indices = @transform_5, window_bounds = array<i64: 2000, 128>}]} {
    %get3A = arith.constant 0 : index
    %get3A_0 = arith.constant 0 : index
    %get3A_1 = vector.load %arg3[%get3A, %get3A_0] : memref<2000x1xf32, #tpu.memory_space<vmem>>, vector<2000x1xf32>
    %rsqrt3A = math.rsqrt %get3A_1 : vector<2000x1xf32>
    %get3A_2 = arith.constant 0 : index
    %get3A_3 = arith.constant 0 : index
    %get3A_4 = vector.load %arg1[%get3A_2, %get3A_3] : memref<2000x128xf32, #tpu.memory_space<vmem>>, vector<2000x128xf32>
    %get3A_5 = arith.constant 0 : index
    %get3A_6 = arith.constant 0 : index
    %get3A_7 = vector.load %arg2[%get3A_5, %get3A_6] : memref<2000x128xf32, #tpu.memory_space<vmem>>, vector<2000x128xf32>
    %add3A = arith.addf %get3A_4, %get3A_7 : vector<2000x128xf32>
    %mul3A = vector.broadcast %rsqrt3A : vector<2000x1xf32> to vector<2000x128xf32>
    %mul3A_8 = arith.mulf %add3A, %mul3A : vector<2000x128xf32>
    %get3A_9 = arith.constant 0 : index
    %get3A_10 = arith.constant 0 : index
    %get3A_11 = vector.load %arg4[%get3A_9, %get3A_10] : memref<1x128xf32, #tpu.memory_space<vmem>>, vector<1x128xf32>
    %add3A_12 = vector.broadcast %get3A_11 : vector<1x128xf32> to vector<2000x128xf32>
    %add3A_13 = arith.addf %mul3A_8, %add3A_12 : vector<2000x128xf32>
    %max3A = arith.constant 0.000000e+00 : f32
    %max3A_14 = vector.broadcast %max3A : f32 to vector<2000x128xf32>
    %max3A_15 = arith.maximumf %add3A_13, %max3A_14 : vector<2000x128xf32>
    %get3A_16 = arith.constant 0 : index
    %get3A_17 = arith.constant 0 : index
    %get3A_18 = vector.load %arg5[%get3A_16, %get3A_17] : memref<128x128xf32, #tpu.memory_space<vmem>>, vector<128x128xf32>
    %dot_general3A = arith.constant dense<0.000000e+00> : vector<2000x128xf32>
    %dot_general3A_19 = tpu.matmul %max3A_15, %get3A_18, %dot_general3A {dimension_numbers = #tpu.dot_dimension_numbers<[1], [0], [0], [1], [0, 0, 1, 1], [], []>, transpose_lhs_hint = false} : vector<2000x128xf32>, vector<128x128xf32>, vector<2000x128xf32> -> vector<2000x128xf32>
    %mul3A_20 = vector.broadcast %rsqrt3A : vector<2000x1xf32> to vector<2000x128xf32>
    %mul3A_21 = arith.mulf %dot_general3A_19, %mul3A_20 : vector<2000x128xf32>
    %swap3A = arith.constant 0 : index
    %swap3A_22 = arith.constant 0 : index
    %swap3A_23 = vector.load %arg6[%swap3A, %swap3A_22] : memref<2000x128xf32, #tpu.memory_space<vmem>>, vector<2000x128xf32>
    tpu.vector_store %arg6[%swap3A, %swap3A_22], %mul3A_21 {strides = array<i32>} : memref<2000x128xf32, #tpu.memory_space<vmem>>, vector<2000x128xf32>,
    return
  }
  func.func @transform_0(%arg0: i32) -> (i32, i32) {
    %c0_i32 = arith.constant 0 : i32
    %c0_i32_0 = arith.constant 0 : i32
    return %arg0, %c0_i32 : i32, i32
  }
  func.func @transform_1(%arg0: i32) -> (i32, i32) {
    %c0_i32 = arith.constant 0 : i32
    %c0_i32_0 = arith.constant 0 : i32
    return %arg0, %c0_i32 : i32, i32
  }
  func.func @transform_2(%arg0: i32) -> (i32, i32) {
    %c0_i32 = arith.constant 0 : i32
    %c0_i32_0 = arith.constant 0 : i32
    return %arg0, %c0_i32 : i32, i32
  }
  func.func @transform_3(%arg0: i32) -> (i32, i32) {
    %c0_i32 = arith.constant 0 : i32
    %c0_i32_0 = arith.constant 0 : i32
    %c0_i32_1 = arith.constant 0 : i32
    return %c0_i32, %c0_i32_0 : i32, i32
  }
  func.func @transform_4(%arg0: i32) -> (i32, i32) {
    %c0_i32 = arith.constant 0 : i32
    %c0_i32_0 = arith.constant 0 : i32
    %c0_i32_1 = arith.constant 0 : i32
    return %c0_i32, %c0_i32_0 : i32, i32
  }
  func.func @transform_5(%arg0: i32) -> (i32, i32) {
    %c0_i32 = arith.constant 0 : i32
    %c0_i32_0 = arith.constant 0 : i32
    return %arg0, %c0_i32 : i32, i32
  }
}

module attributes {stable_mosaic.version = 14 : i64} {
  func.func @_tc_last_body(%arg0: i32, %arg1: memref<2000x128xf32, #tpu.memory_space<vmem>>, %arg2: memref<2000x128xf32, #tpu.memory_space<vmem>>, %arg3: memref<2000x1xf32, #tpu.memory_space<vmem>>, %arg4: memref<1x128xf32, #tpu.memory_space<vmem>>, %arg5: memref<2000x128xf32, #tpu.memory_space<vmem>>) attributes {dimension_semantics = [#tpu.dimension_semantics<arbitrary>], iteration_bounds = array<i64: 5>, scalar_prefetch = 0 : i64, scratch_operands = 0 : i64, tpu.core_type = #tpu.core_type<tc>, window_params = [{transform_indices = @transform_0, window_bounds = array<i64: 2000, 128>}, {transform_indices = @transform_1, window_bounds = array<i64: 2000, 128>}, {transform_indices = @transform_2, window_bounds = array<i64: 2000, 1>}, {pipeline_mode = #tpu.pipeline_mode<synchronous>, transform_indices = @transform_3, window_bounds = array<i64: 1, 128>}, {transform_indices = @transform_4, window_bounds = array<i64: 2000, 128>}]} {
    %get3A = arith.constant 0 : index
    %get3A_0 = arith.constant 0 : index
    %get3A_1 = vector.load %arg3[%get3A, %get3A_0] : memref<2000x1xf32, #tpu.memory_space<vmem>>, vector<2000x1xf32>
    %rsqrt3A = math.rsqrt %get3A_1 : vector<2000x1xf32>
    %get3A_2 = arith.constant 0 : index
    %get3A_3 = arith.constant 0 : index
    %get3A_4 = vector.load %arg1[%get3A_2, %get3A_3] : memref<2000x128xf32, #tpu.memory_space<vmem>>, vector<2000x128xf32>
    %get3A_5 = arith.constant 0 : index
    %get3A_6 = arith.constant 0 : index
    %get3A_7 = vector.load %arg2[%get3A_5, %get3A_6] : memref<2000x128xf32, #tpu.memory_space<vmem>>, vector<2000x128xf32>
    %add3A = arith.addf %get3A_4, %get3A_7 : vector<2000x128xf32>
    %mul3A = vector.broadcast %rsqrt3A : vector<2000x1xf32> to vector<2000x128xf32>
    %mul3A_8 = arith.mulf %add3A, %mul3A : vector<2000x128xf32>
    %get3A_9 = arith.constant 0 : index
    %get3A_10 = arith.constant 0 : index
    %get3A_11 = vector.load %arg4[%get3A_9, %get3A_10] : memref<1x128xf32, #tpu.memory_space<vmem>>, vector<1x128xf32>
    %add3A_12 = vector.broadcast %get3A_11 : vector<1x128xf32> to vector<2000x128xf32>
    %add3A_13 = arith.addf %mul3A_8, %add3A_12 : vector<2000x128xf32>
    %swap3A = arith.constant 0 : index
    %swap3A_14 = arith.constant 0 : index
    %swap3A_15 = vector.load %arg5[%swap3A, %swap3A_14] : memref<2000x128xf32, #tpu.memory_space<vmem>>, vector<2000x128xf32>
    tpu.vector_store %arg5[%swap3A, %swap3A_14], %add3A_13 {strides = array<i32>} : memref<2000x128xf32, #tpu.memory_space<vmem>>, vector<2000x128xf32>,
    return
  }
  func.func @transform_0(%arg0: i32) -> (i32, i32) {
    %c0_i32 = arith.constant 0 : i32
    %c0_i32_0 = arith.constant 0 : i32
    return %arg0, %c0_i32 : i32, i32
  }
  func.func @transform_1(%arg0: i32) -> (i32, i32) {
    %c0_i32 = arith.constant 0 : i32
    %c0_i32_0 = arith.constant 0 : i32
    return %arg0, %c0_i32 : i32, i32
  }
  func.func @transform_2(%arg0: i32) -> (i32, i32) {
    %c0_i32 = arith.constant 0 : i32
    %c0_i32_0 = arith.constant 0 : i32
    return %arg0, %c0_i32 : i32, i32
  }
  func.func @transform_3(%arg0: i32) -> (i32, i32) {
    %c0_i32 = arith.constant 0 : i32
    %c0_i32_0 = arith.constant 0 : i32
    %c0_i32_1 = arith.constant 0 : i32
    return %c0_i32, %c0_i32_0 : i32, i32
  }
  func.func @transform_4(%arg0: i32) -> (i32, i32) {
    %c0_i32 = arith.constant 0 : i32
    %c0_i32_0 = arith.constant 0 : i32
    return %arg0, %c0_i32 : i32, i32
  }
}

</mosaic_0001>

<sc_bundles>
// kernel: kernel.11.cloned.1.call-start
scs
__scs_entry_jumppad:
0x0: {  	(pc) =	sbr.rel $0x88, $3  }
0x1: {  	(tag) =	ssettag $0x0;
	lr =	simm.s32 $0x1  }
0x2: {  	[smem:$0x3F9B] =	sst lr;
	_ =	strace $0xD0000000  }
0x3: {  	_ = 	snop  }
0x4: {  	_ = 	snop  }
0x5: {  	_ = 	snop  }
0x6: {  	_ = 	snop  }
0x7: {  	_ = 	snop  }
__scs_overlays_trampoline_lowered:
0x8: {  	[smem:$0x3FAA] =	sst s0  }
0x9: {  	[smem:$0x3FAB] =	sst s1  }
0xa: {  	[smem:$0x3FAC] =	sst s2  }
0xb: {  	[smem:$0x3FAD] =	sst s3  }
0xc: {  	[smem:$0x3FAE] =	sst s4  }
0xd: {  	[smem:$0x3FAF] =	sst s5  }
0xe: {  	[smem:$0x3FB0] =	sst s6  }
0xf: {  	[smem:$0x3FB1] =	sst s7  }
0x10: {  	[smem:$0x3FB2] =	sst s8  }
0x11: {  	[smem:$0x3FB3] =	sst s9;
	s0 =	simm.s32 @!p0 $0x0  }
0x12: {  	s1 =	sld [smem:$0x3F99];
	s0 =	simm.s32 @p0 $0x1  }
0x13: {  	[smem:$0x3FB4] =	sst s0;
	s0 =	simm.s32 @!p1 $0x0  }
0x14: {  	s2 =	sld [smem:$0x3F98];
	s0 =	simm.s32 @p1 $0x1  }
0x15: {  	[smem:$0x3FB5] =	sst s0;
	s0 =	simm.s32 @!p2 $0x0  }
0x16: {  	s3 =	sld [smem:$0x3FDB];
	s0 =	simm.s32 @p2 $0x1  }
0x17: {  	s4 =	simm.s32 $0x1BF5;
	[smem:$0x3FB7] =	sst s0  }
0x18: {  	s0 =	sld [smem:$0x3F9A];
	_ =	swait.ge [sflag:s4], $0x0  }
0x19: {  	s7 =	sld [smem:$0x3F9B]  }
0x1a: {  	s8 =	sadd.s32 $0xFFFFE003, lr  }
0x1b: {  	s9 =	sadd.s32 $0xFFFFFEF7, lr;
	s5 =	simm.s32 $0xFFFFFFFF;
	p2 =	slt.u32 s8, $0xFFFFF086  }
0x1c: {  	p1 =	slt.u32 s9, $0xF7A;
	s5 =	simm.s32 @!p2 $0x0  }
0x1d: {  	s5 =	simm.s32 @p1 $0x1;
	p0 =	seq.s32 s7, s2  }
0x1e: {  	s7 =	smul.u32 @!p0 $0xF7A, s2;
	p2 =	seq.s32 @!p0 s5, $0x0  }
0x1f: {  	s9 =	smul.u32 $0xF7A, s1;
	s8 =	simm.s32 @!p0 $0x1BF5;
	p2 =	por !p2, p0  }
0x20: {  	[sflag:s8] =	ssyncset.s32 @!p0 $0xFFFFF086;
	s6 =	sadd.s32 @!p0 s3, s7;
	s7 =	simm.s32 @!p0 $0x108  }
0x21: {  	s3 =	sadd.s32 s3, s9;
	s6 =	sadd.s32 @!p0 $0x88, s6;
	s7 =	simm.s32 @p2 $0x1082  }
0x22: {  	[simem:s7], [sflag:s8] =	dma.local @!p0 [hbm:s6], $0xF7A  }
0x23: {  	s9 =	sor.u32 $0xD0000000, s2;
	s6 =	simm.s32 $0x108;
	_ =	swait.ge @!p0 [sflag:s8], $0x0  }
0x24: {  	s3 =	sadd.s32 $0x88, s3;
	s6 =	simm.s32 @!p1 $0x1082;
	[sflag:s4] =	ssyncset.s32 $0xFFFFF086  }
0x25: {  	[simem:s6], [sflag:s4] =	dma.local [hbm:s3], $0xF7A  }
0x26: {  	[smem:$0x3F9B] =	sst s1;
	(tag) =	ssettag s2;
	_ =	strace s9  }
0x27: {  	s1 =	sld [smem:$0x3FAB]  }
0x28: {  	s2 =	sld [smem:$0x3FAC]  }
0x29: {  	s4 =	sld [smem:$0x3FAE]  }
0x2a: {  	p0 =	seq.s32 s5, $0x0;
	s5 =	sld [smem:$0x3FAF]  }
0x2b: {  	s6 =	sld [smem:$0x3FB0]  }
0x2c: {  	s7 =	sld [smem:$0x3FB1]  }
0x2d: {  	s3 =	simm.s32 $0x108;
	s8 =	sld [smem:$0x3FB2]  }
0x2e: {  	s3 =	simm.s32 @!p0 $0x1082;
	s9 =	sld [smem:$0x3FB3]  }
0x2f: {  	lr =	sadd.s32 s0, s3;
	s0 =	sld [smem:$0x3FAA]  }
0x30: {  	s3 =	sld [smem:$0x3FAD]  }
0x31: {  	[smem:$0x3FB6] =	sst s10  }
0x32: {  	s10 =	sld [smem:$0x3FB4];
	_ =	sdelay $0x3  }
0x33: {  	p0 =	seq.s32 s10, $0x1;
	s10 =	sld [smem:$0x3FB6];
	_ =	sdelay $0x3  }
0x34: {  	[smem:$0x3FB6] =	sst s10  }
0x35: {  	s10 =	sld [smem:$0x3FB5];
	_ =	sdelay $0x3  }
0x36: {  	p1 =	seq.s32 s10, $0x1;
	s10 =	sld [smem:$0x3FB6];
	_ =	sdelay $0x3  }
0x37: {  	[smem:$0x3FB6] =	sst s10  }
0x38: {  	s10 =	sld [smem:$0x3FB7]  }
0x39: {  	_ = 	snop;
	(pc) =	sbr.ind lr, $3  }
0x3a: {  	_ = 	snop  }
0x3b: {  	_ = 	snop  }
0x3c: {  	p2 =	seq.s32 s10, $0x1;
	s10 =	sld [smem:$0x3FB6]  }
0x3d: {  	_ =	shalt  }
0x3e: {  	_ =	shalt  }
0x3f: {  	_ =	shalt  }
0x40: {  	_ =	shalt  }
0x41: {  	_ =	shalt  }
0x42: {  	_ =	shalt  }
0x43: {  	_ =	shalt  }
0x44: {  	_ =	shalt  }
0x45: {  	_ =	shalt  }
0x46: {  	_ =	shalt  }
0x47: {  	_ =	shalt  }
0x48: {  	_ =	shalt  }
0x49: {  	_ =	shalt  }
0x4a: {  	_ =	shalt  }
0x4b: {  	_ =	shalt  }
0x4c: {  	_ =	shalt  }
0x4d: {  	_ =	shalt  }
0x4e: {  	_ =	shalt  }
0x4f: {  	_ =	shalt  }
0x50: {  	_ =	shalt  }
0x51: {  	_ =	shalt  }
0x52: {  	_ =	shalt  }
0x53: {  	_ =	shalt  }
0x54: {  	_ =	shalt  }
0x55: {  	_ =	shalt  }
0x56: {  	_ =	shalt  }
0x57: {  	_ =	shalt  }
0x58: {  	_ =	shalt  }
0x59: {  	_ =	shalt  }
0x5a: {  	_ =	shalt  }
0x5b: {  	_ =	shalt  }
0x5c: {  	_ =	shalt  }
0x5d: {  	_ =	shalt  }
0x5e: {  	_ =	shalt  }
0x5f: {  	_ =	shalt  }
0x60: {  	_ =	shalt  }
0x61: {  	_ =	shalt  }
0x62: {  	_ =	shalt  }
0x63: {  	_ =	shalt  }
0x64: {  	_ =	shalt  }
0x65: {  	_ =	shalt  }
0x66: {  	_ =	shalt  }
0x67: {  	_ =	shalt  }
0x68: {  	_ =	shalt  }
0x69: {  	_ =	shalt  }
0x6a: {  	_ =	shalt  }
0x6b: {  	_ =	shalt  }
0x6c: {  	_ =	shalt  }
0x6d: {  	_ =	shalt  }
0x6e: {  	_ =	shalt  }
0x6f: {  	_ =	shalt  }
0x70: {  	_ =	shalt  }
0x71: {  	_ =	shalt  }
0x72: {  	_ =	shalt  }
0x73: {  	_ =	shalt  }
0x74: {  	_ =	shalt  }
0x75: {  	_ =	shalt  }
0x76: {  	_ =	shalt  }
0x77: {  	_ =	shalt  }
0x78: {  	_ =	shalt  }
0x79: {  	_ =	shalt  }
0x7a: {  	_ =	shalt  }
0x7b: {  	_ =	shalt  }
0x7c: {  	_ =	shalt  }
0x7d: {  	_ =	shalt  }
0x7e: {  	_ =	shalt  }
0x7f: {  	_ =	shalt  }
0x80: {  	_ =	shalt  }
0x81: {  	_ =	shalt  }
0x82: {  	_ =	shalt  }
0x83: {  	_ =	shalt  }
0x84: {  	_ =	shalt  }
0x85: {  	_ =	shalt  }
0x86: {  	_ =	shalt  }
0x87: {  	_ =	shalt  }
.Lfunc_end0:
.L_simem_size_0:
called_computation.1_lowered:
.L_overlay_start_0:
0x88: {  	s2 =	sld [smem:$0x3FD9]  }
0x89: {  	s3 =	sld [smem:$0x3FFE];
	_ =	sdelay $0x1  }
0x8a: {  	s1 =	srdreg.scid  }
0x8b: {  	s0 =	sand.u32 $0x1, s1  }
0x8c: {  	s17 =	sshll.u32 s0, $0xA;
	s2 =	sadd.s32 s3, s2  }
0x8d: {  	s2 =	sadd.s32 s2, s17  }
0x8e: {  	[smem:$0x3FC2] =	sst s2  }
0x8f: {  	_ = 	snop  }
0x90: {  	s2 =	sld [smem:$0x3FD0];
	(tm) =	ssettm $0x1  }
0x91: {  	s18 =	sld [smem:$0x3FFB];
	_ =	sdelay $0x3  }
0x92: {  	_ =	strace s18  }
0x93: {  	s3 =	sld [smem:$0x3FFC];
	_ =	sdelay $0x3  }
0x94: {  	_ =	strace s3  }
0x95: {  	s3 =	sld [smem:$0x3FFD];
	_ =	sdelay $0x3  }
0x96: {  	_ =	strace s3  }
0x97: {  	_ =	strace $0x8FFFFFFF  }
0x98: {  	s19 =	sld [smem:$0x3FDB];
	_ =	sdelay $0x1  }
0x99: {  	s4 =	simm.s32 $_scs_section_size  }
0x9a: {  	s5 =	simm.s32 $_size__tile_overlayer_lowered;
	s6 =	simm.s32 $_tile_overlayer_lowered  }
0x9b: {  	s22 =	simm.s32 $0x1BFF;
	s21 =	sshll.u32 s6, $0x1;
	s3 =	sadd.s32 s4, s19  }
0x9c: {  	s7 =	simm.s32 $0x0;
	s20 =	sshll.u32 s5, $0x1;
	s5 =	sadd.s32 s21, s3  }
0x9d: {  	[timem:s7], [sflag:s22] =	dma.local [hbm:s5], s20  }
0x9e: {  	_ =	swait.ge [sflag:s22], s20  }
0x9f: {  	s4 =	ssub.s32 $0x0, s20;
	[sflag:s22] =	ssyncset.done $0x0  }
0xa0: {  	[sflag:s22] =	ssyncadd.s32 s4;
	_ =	sdelay $0x1  }
0xa1: {  	s23 =	simm.s32 $0x1B8B  }
0xa2: {  	_ =	swait.ge [sflag:s23], $0x1  }
0xa3: {  	[sflag:s23] =	ssyncset.done $0x0  }
0xa4: {  	s25 =	simm.s32 $0x1B8E;
	s24 =	sld [smem:$0x3FFE];
	[sflag:s23] =	ssyncadd.s32 $0xFFFFFFFF  }
0xa5: {  	s26 =	simm.s32 $execute0_lowered;
	[smem:$0x3FD2] =	sst s25  }
0xa6: {  	s5 =	sshll.u32 s26, $0x1;
	_ =	strace $0x80000049;
	[dreg:$0x1] =	wrdreg $0xFFFFFFFF  }
0xa7: {  	s28 =	simm.s32 $_size_execute0_lowered;
	s3 =	sadd.s32 s3, s5;
	[dreg:$0x0] =	wrdreg $0x0  }
0xa8: {  	s5 =	sshll.u32 s28, $0x1;
	[dreg:$0x2] =	wrdreg s3  }
0xa9: {  	[dreg:$0x3] =	wrdreg s5  }
0xaa: {  	[dreg:$0x4] =	wrdreg $0xC0  }
0xab: {  	_ =	task [dreg:s7], $0x5FFFF  }
0xac: {  	[dreg:$0x1] =	wrdreg $0xFFFFFFFF  }
0xad: {  	[dreg:$0x0] =	wrdreg $0x60  }
0xae: {  	[dreg:$0x2] =	wrdreg s2  }
0xaf: {  	[dreg:$0x3] =	wrdreg s24  }
0xb0: {  	[dreg:$0x4] =	wrdreg $0x120000  }
0xb1: {  	[dreg:$0x5] =	wrdreg $0x9  }
0xb2: {  	_ =	task.clear_ibuf [dreg:s7], $0x6FFFF;
	_ =	strace $0x90000049  }
0xb3: {  	s29 =	simm.s32 $0x9;
	_ =	strace $0x8000004B  }
0xb4: {  	_ =	swait.ge [sflag:s29], $0x1  }
0xb5: {  	[sflag:s29] =	ssyncadd.s32 $0xFFFFFFFF  }
0xb6: {  	_ =	strace $0x9000004B  }
0xb7: {  	_ =	sfence  }
0xb8: {  	s30 =	sld [smem:$0x0];
	_ =	sdelay $0x2  }
0xb9: {  	s31 =	sshll.u32 s1, $0xD;
	s1 =	sshrl.u32 s1, $0x2  }
0xba: {  	s3 =	sand.u32 $0x4000, s31;
	s1 =	sadd.s32 s1, s30  }
0xbb: {  	s0 =	sor.u32 s3, s0;
	s1 =	sshll.u32 s1, $0x11  }
0xbc: {  	s0 =	sor.u32 s1, s0  }
0xbd: {  	s0 =	sadd.s32 $0x8F2B, s0  }
0xbe: {  	[sflag:s0] =	ssyncadd.remote.s32 $0x1  }
0xbf: {  	_ =	sfence.sel $0xFFFF  }
0xc0: {  	[dreg:$0x0] =	wrdreg $0xFFFFFFFF;
	(pc) =	sbr.abs _section_cstart, $3  }
0xc1: {  	[dreg:$0x1] =	wrdreg $0xFFFFFFFF  }
0xc2: {  	_ =	task.clear_ibuf [dreg:s7], $0x2FFFF;
	_ =	strace $0x9FFFFFFF  }
0xc3: {  	(tm) =	ssettm $0x7FFFFFFF  }
tec
execute0_lowered:
.L_overlay_start_1:
0x0: {  	(tag) =	ssettag $0x1  }
0x1: {  	s1 =	rddreg [dreg:$0x0]  }
0x2: {  	s0 =	srdreg.scid;
	s2 =	rddreg [dreg:$0x1]  }
0x3: {  	s10 =	stileid.u32;
	s3 =	rddreg [dreg:$0x2]  }
0x4: {  	s4 =	simm.s32 $0x0;
	s12 =	simm.s32 $0x9;
	s13 =	simm.s32 $0x5000  }
0x5: {  	s14 =	simm.s32 $0x80;
	s15 =	simm.s32 $0xA000;
	s16 =	simm.s32 $0xC000  }
0x6: {  	s17 =	simm.s32 $0x1;
	s19 =	simm.s32 $0xE000;
	s20 =	simm.s32 $0x2  }
0x7: {  	s23 =	simm.s32 $0x10000;
	s29 =	simm.s32 $0x4;
	s31 =	simm.s32 $0x6  }
0x8: {  	s18 =	simm.s32 $0x8;
	s28 =	simm.s32 $0x4F80;
	s5 =	smul.u32 $0x5000, s10  }
0x9: {  	s21 =	simm.s32 $0x10;
	s22 =	simm.s32 $0x0;
	s7 =	smul.u32 $0x14000, s10  }
0xa: {  	s0 =	sand.u32 $0x1, s0;
	[smem:$0x7FF] =	sst s4;
	s25 =	smul.u32 $0x28000, s10  }
0xb: {  	s6 =	smul.u32 $0x50000, s0;
	s24 =	sshll.u32 s0, $0x6;
	s0 =	ssub.s32 $0x2, s0  }
0xc: {  	s30 =	sshll.u32 s10, $0x6;
	_ =	strace $0x8000004A;
	s26 =	sshrl.u32 s0, $0x1  }
0xd: {  	s6 =	sadd.s32 s5, s6;
	s5 =	sshrl.u32 s5, $0x3;
	s0 =	ssub.s32 s0, s26  }
0xe: {  	s26 =	simm.s32 $0x5;
	s6 =	sshrl.u32 s6, $0x3;
	s9 =	sadd.s32 s5, s2  }
0xf: {  	s5 =	sadd.s32 $0x21200, s2;
	s10 =	smax.u32 s0, $0x1;
	s0 =	simm.s32 $0x7  }
0x10: {  	s8 =	sadd.s32 s6, s2;
	s6 =	sor.u32 s24, s7;
	s7 =	sshrl.u32 s25, $0x2  }
0x11: {  	s24 =	simm.s32 $0x3;
	s6 =	sshrl.u32 s6, $0x3;
	s11 =	sadd.s32 s7, s3  }
0x12: {  	s7 =	sadd.s32 $0xD200, s8;
	s8 =	sadd.s32 $0x2E00, s9;
	s2 =	sadd.s32 s6, s2  }
0x13: {  	s6 =	sor.u32 $0x1C09, s30;
	s11 =	sshrl.u32 s11, $0x3;
	s9 =	sadd.s32 $0x22600, s2  }
.LBB2_1:
0x14: {  	[spmem:s11], [sflag:s6] =	dma.local [hbm:s5], $0x1400  }
0x15: {  	_ =	swait.ge [sflag:s12], $0x1400  }
0x16: {  	[sflag:s12] =	ssyncset.done $0x0  }
0x17: {  	[sflag:s12] =	ssyncadd.s32 $0xFFFFEC00  }
0x18: {  	[tilespmem:s4], [sflag:$0x9] =	stream.linear.gather [hbm4b:s7+s4], $0x5000, $0x38;
	[tilespmem:$0x1C000] =	vst v63  }
0x19: {  	_ =	swait.ge [sflag:s12], $0x5000  }
0x1a: {  	[sflag:s12] =	ssyncset.done $0x0  }
0x1b: {  	[sflag:s12] =	ssyncadd.s32 $0xFFFFB000  }
0x1c: {  	[tilespmem:s13], [sflag:$0x9] =	stream.linear.gather [hbm4b:s8+s4], $0x5000, $0x38;
	[tilespmem:$0x1C000] =	vst v63  }
0x1d: {  	_ =	swait.ge [sflag:s12], $0x5000  }
0x1e: {  	[sflag:s12] =	ssyncset.done $0x0  }
0x1f: {  	[sflag:s12] =	ssyncadd.s32 $0xFFFFB000  }
0x20: {  	[bflag:$0x0] =	sbarrier.arrive $0xFFFF  }
0x21: {  	[tilespmem:s15], [sflag:$0x1] =	stream.indirect.gather [hbm4b:s1+s14], $0x40, s4, s14, $0xb8;
	[tilespmem:$0x1C000] =	vst v63  }
0x22: {  	_ = 	snop  }
0x23: {  	[tilespmem:s16], [sflag:$0x2] =	stream.indirect.gather [hbm4b:s1+s14], $0x40, s14, s14, $0xb8;
	[tilespmem:$0x1C000] =	vst v63  }
0x24: {  	_ =	swait.ge [sflag:s17], $0x2000  }
0x25: {  	[sflag:s17] =	ssyncset.done $0x0  }
0x26: {  	[sflag:s17] =	ssyncadd.s32 $0xFFFFE000  }
0x27: {  	[spmem:s3] =	stream.indirect.scatter.add.f32 [tilespmem:s15], [sflag:$0x5], $0x40, s13, s14, $0xb8;
	[tilespmem:$0x1C000] =	vst v63  }
0x28: {  	s2 =	simm.s32 $0x100  }
0x29: {  	[tilespmem:s19], [sflag:$0x3] =	stream.indirect.gather [hbm4b:s1+s14], $0x40, s2, s14, $0xb8;
	[tilespmem:$0x1C000] =	vst v63  }
0x2a: {  	_ =	swait.ge [sflag:s20], $0x2000  }
0x2b: {  	[sflag:s20] =	ssyncset.done $0x0  }
0x2c: {  	s25 =	simm.s32 $0x5080;
	[sflag:s20] =	ssyncadd.s32 $0xFFFFE000  }
0x2d: {  	[spmem:s3] =	stream.indirect.scatter.add.f32 [tilespmem:s16], [sflag:$0x6], $0x40, s25, s14, $0xb8;
	[tilespmem:$0x1C000] =	vst v63  }
0x2e: {  	s25 =	simm.s32 $0x180  }
0x2f: {  	[tilespmem:s23], [sflag:$0x4] =	stream.indirect.gather [hbm4b:s1+s14], $0x40, s25, s14, $0xb8;
	[tilespmem:$0x1C000] =	vst v63  }
0x30: {  	_ =	swait.ge [sflag:s24], $0x2000  }
0x31: {  	[sflag:s24] =	ssyncset.done $0x0  }
0x32: {  	s25 =	simm.s32 $0x5100;
	[sflag:s24] =	ssyncadd.s32 $0xFFFFE000  }
0x33: {  	[spmem:s3] =	stream.indirect.scatter.add.f32 [tilespmem:s19], [sflag:$0x7], $0x40, s25, s14, $0xb8;
	[tilespmem:$0x1C000] =	vst v63  }
0x34: {  	_ =	swait.ge [sflag:s26], $0x2000  }
0x35: {  	[sflag:s26] =	ssyncset.done $0x0  }
0x36: {  	s25 =	simm.s32 $0x200;
	[sflag:s26] =	ssyncadd.s32 $0xFFFFE000  }
0x37: {  	[tilespmem:s15], [sflag:$0x1] =	stream.indirect.gather [hbm4b:s1+s14], $0x40, s25, s14, $0xb8;
	[tilespmem:$0x1C000] =	vst v63  }
0x38: {  	_ =	swait.ge [sflag:s29], $0x2000  }
0x39: {  	[sflag:s29] =	ssyncset.done $0x0  }
0x3a: {  	s25 =	simm.s32 $0x5180;
	[sflag:s29] =	ssyncadd.s32 $0xFFFFE000  }
0x3b: {  	[spmem:s3] =	stream.indirect.scatter.add.f32 [tilespmem:s23], [sflag:$0x8], $0x40, s25, s14, $0xb8;
	[tilespmem:$0x1C000] =	vst v63  }
0x3c: {  	_ =	swait.ge [sflag:s31], $0x2000  }
0x3d: {  	[sflag:s31] =	ssyncset.done $0x0  }
0x3e: {  	s25 =	simm.s32 $0x280;
	[sflag:s31] =	ssyncadd.s32 $0xFFFFE000  }
0x3f: {  	[tilespmem:s16], [sflag:$0x2] =	stream.indirect.gather [hbm4b:s1+s14], $0x40, s25, s14, $0xb8;
	[tilespmem:$0x1C000] =	vst v63  }
0x40: {  	_ =	swait.ge [sflag:s17], $0x2000  }
0x41: {  	[sflag:s17] =	ssyncset.done $0x0  }
0x42: {  	s25 =	simm.s32 $0x5200;
	[sflag:s17] =	ssyncadd.s32 $0xFFFFE000  }
0x43: {  	[spmem:s3] =	stream.indirect.scatter.add.f32 [tilespmem:s15], [sflag:$0x5], $0x40, s25, s14, $0xb8;
	[tilespmem:$0x1C000] =	vst v63  }
0x44: {  	_ =	swait.ge [sflag:s0], $0x2000  }
0x45: {  	[sflag:s0] =	ssyncset.done $0x0  }
0x46: {  	s2 =	simm.s32 $0x300;
	[sflag:s0] =	ssyncadd.s32 $0xFFFFE000  }
0x47: {  	[tilespmem:s19], [sflag:$0x3] =	stream.indirect.gather [hbm4b:s1+s14], $0x40, s2, s14, $0xb8;
	[tilespmem:$0x1C000] =	vst v63  }
0x48: {  	_ =	swait.ge [sflag:s20], $0x2000  }
0x49: {  	[sflag:s20] =	ssyncset.done $0x0  }
0x4a: {  	s2 =	simm.s32 $0x5280;
	[sflag:s20] =	ssyncadd.s32 $0xFFFFE000  }
0x4b: {  	[spmem:s3] =	stream.indirect.scatter.add.f32 [tilespmem:s16], [sflag:$0x6], $0x40, s2, s14, $0xb8;
	[tilespmem:$0x1C000] =	vst v63  }
0x4c: {  	_ =	swait.ge [sflag:s18], $0x2000  }
0x4d: {  	[sflag:s18] =	ssyncset.done $0x0  }
0x4e: {  	s2 =	simm.s32 $0x380;
	[sflag:s18] =	ssyncadd.s32 $0xFFFFE000  }
0x4f: {  	[tilespmem:s23], [sflag:$0x4] =	stream.indirect.gather [hbm4b:s1+s14], $0x40, s2, s14, $0xb8;
	[tilespmem:$0x1C000] =	vst v63  }
0x50: {  	_ =	swait.ge [sflag:s24], $0x2000  }
0x51: {  	[sflag:s24] =	ssyncset.done $0x0  }
0x52: {  	s2 =	simm.s32 $0x5300;
	[sflag:s24] =	ssyncadd.s32 $0xFFFFE000  }
0x53: {  	[spmem:s3] =	stream.indirect.scatter.add.f32 [tilespmem:s19], [sflag:$0x7], $0x40, s2, s14, $0xb8;
	[tilespmem:$0x1C000] =	vst v63  }
0x54: {  	_ =	swait.ge [sflag:s26], $0x2000  }
0x55: {  	[sflag:s26] =	ssyncset.done $0x0  }
0x56: {  	s2 =	simm.s32 $0x400;
	[sflag:s26] =	ssyncadd.s32 $0xFFFFE000  }
0x57: {  	[tilespmem:s15], [sflag:$0x1] =	stream.indirect.gather [hbm4b:s1+s14], $0x40, s2, s14, $0xb8;
	[tilespmem:$0x1C000] =	vst v63  }
0x58: {  	_ =	swait.ge [sflag:s29], $0x2000  }
0x59: {  	[sflag:s29] =	ssyncset.done $0x0  }
0x5a: {  	s2 =	simm.s32 $0x5380;
	[sflag:s29] =	ssyncadd.s32 $0xFFFFE000  }
0x5b: {  	[spmem:s3] =	stream.indirect.scatter.add.f32 [tilespmem:s23], [sflag:$0x8], $0x40, s2, s14, $0xb8;
	[tilespmem:$0x1C000] =	vst v63  }
0x5c: {  	_ =	swait.ge [sflag:s31], $0x2000  }
0x5d: {  	[sflag:s31] =	ssyncset.done $0x0  }
0x5e: {  	s30 =	simm.s32 $0x480;
	s25 =	simm.s32 $0x800;
	[sflag:s31] =	ssyncadd.s32 $0xFFFFE000  }
.LBB2_2:
0x5f: {  	[tilespmem:s16], [sflag:$0x2] =	stream.indirect.gather [hbm4b:s1+s14], $0x40, s30, s14, $0xb8;
	[tilespmem:$0x1C000] =	vst v63  }
0x60: {  	s30 =	smov.u32 s25  }
0x61: {  	p0 =	sne.s32 s25, $0x12800;
	s25 =	sadd.s32 $0x800, s25;
	_ =	swait.ge [sflag:s17], $0x2000  }
0x62: {  	s30 =	sshra.s32 s30, $0x2;
	[sflag:s17] =	ssyncset.done $0x0  }
0x63: {  	s2 =	sadd.s32 $0x5200, s30;
	[sflag:s17] =	ssyncadd.s32 $0xFFFFE000  }
0x64: {  	[spmem:s3] =	stream.indirect.scatter.add.f32 [tilespmem:s15], [sflag:$0x5], $0x40, s2, s14, $0xb8;
	[tilespmem:$0x1C000] =	vst v63  }
0x65: {  	_ =	swait.ge [sflag:s0], $0x2000  }
0x66: {  	[sflag:s0] =	ssyncset.done $0x0  }
0x67: {  	s2 =	sadd.s32 $0x300, s30;
	[sflag:s0] =	ssyncadd.s32 $0xFFFFE000  }
0x68: {  	[tilespmem:s19], [sflag:$0x3] =	stream.indirect.gather [hbm4b:s1+s14], $0x40, s2, s14, $0xb8;
	[tilespmem:$0x1C000] =	vst v63  }
0x69: {  	_ =	swait.ge [sflag:s20], $0x2000  }
0x6a: {  	[sflag:s20] =	ssyncset.done $0x0  }
0x6b: {  	s2 =	sadd.s32 $0x5280, s30;
	[sflag:s20] =	ssyncadd.s32 $0xFFFFE000  }
0x6c: {  	[spmem:s3] =	stream.indirect.scatter.add.f32 [tilespmem:s16], [sflag:$0x6], $0x40, s2, s14, $0xb8;
	[tilespmem:$0x1C000] =	vst v63  }
0x6d: {  	_ =	swait.ge [sflag:s18], $0x2000  }
0x6e: {  	[sflag:s18] =	ssyncset.done $0x0  }
0x6f: {  	s2 =	sadd.s32 $0x380, s30;
	[sflag:s18] =	ssyncadd.s32 $0xFFFFE000  }
0x70: {  	[tilespmem:s23], [sflag:$0x4] =	stream.indirect.gather [hbm4b:s1+s14], $0x40, s2, s14, $0xb8;
	[tilespmem:$0x1C000] =	vst v63  }
0x71: {  	_ =	swait.ge [sflag:s24], $0x2000  }
0x72: {  	[sflag:s24] =	ssyncset.done $0x0  }
0x73: {  	s2 =	sadd.s32 $0x5300, s30;
	[sflag:s24] =	ssyncadd.s32 $0xFFFFE000  }
0x74: {  	[spmem:s3] =	stream.indirect.scatter.add.f32 [tilespmem:s19], [sflag:$0x7], $0x40, s2, s14, $0xb8;
	[tilespmem:$0x1C000] =	vst v63  }
0x75: {  	_ =	swait.ge [sflag:s26], $0x2000  }
0x76: {  	[sflag:s26] =	ssyncset.done $0x0  }
0x77: {  	s2 =	sadd.s32 $0x400, s30;
	[sflag:s26] =	ssyncadd.s32 $0xFFFFE000  }
0x78: {  	[tilespmem:s15], [sflag:$0x1] =	stream.indirect.gather [hbm4b:s1+s14], $0x40, s2, s14, $0xb8;
	[tilespmem:$0x1C000] =	vst v63  }
0x79: {  	_ =	swait.ge [sflag:s29], $0x2000  }
0x7a: {  	[sflag:s29] =	ssyncset.done $0x0  }
.Ltmp0:
0x7b: {  	s2 =	sadd.s32 $0x5380, s30;
	[sflag:s29] =	ssyncadd.s32 $0xFFFFE000;
	(pc) =	sbr.rel @p0 .LBB2_2-.Ltmp0, $4  }
0x7c: {  	[spmem:s3] =	stream.indirect.scatter.add.f32 [tilespmem:s23], [sflag:$0x8], $0x40, s2, s14, $0xb8;
	[tilespmem:$0x1C000] =	vst v63  }
0x7d: {  	_ =	swait.ge [sflag:s31], $0x2000  }
0x7e: {  	[sflag:s31] =	ssyncset.done $0x0  }
0x7f: {  	s30 =	sadd.s32 $0x480, s30;
	[sflag:s31] =	ssyncadd.s32 $0xFFFFE000  }
0x80: {  	[tilespmem:s16], [sflag:$0x2] =	stream.indirect.gather [hbm4b:s1+s14], $0x40, s30, s14, $0xb8;
	[tilespmem:$0x1C000] =	vst v63  }
0x81: {  	_ =	swait.ge [sflag:s17], $0x2000  }
0x82: {  	[sflag:s17] =	ssyncset.done $0x0  }
0x83: {  	s2 =	simm.s32 $0x9E00;
	[sflag:s17] =	ssyncadd.s32 $0xFFFFE000  }
0x84: {  	[spmem:s3] =	stream.indirect.scatter.add.f32 [tilespmem:s15], [sflag:$0x5], $0x40, s2, s14, $0xb8;
	[tilespmem:$0x1C000] =	vst v63  }
0x85: {  	_ =	swait.ge [sflag:s0], $0x2000  }
0x86: {  	[sflag:s0] =	ssyncset.done $0x0  }
0x87: {  	s25 =	simm.s32 $0x4F00;
	[sflag:s0] =	ssyncadd.s32 $0xFFFFE000  }
0x88: {  	[tilespmem:s19], [sflag:$0x3] =	stream.indirect.gather [hbm4b:s1+s14], $0x40, s25, s14, $0xb8;
	[tilespmem:$0x1C000] =	vst v63  }
0x89: {  	_ =	swait.ge [sflag:s20], $0x2000  }
0x8a: {  	[sflag:s20] =	ssyncset.done $0x0  }
0x8b: {  	s30 =	simm.s32 $0x9E80;
	[sflag:s20] =	ssyncadd.s32 $0xFFFFE000  }
0x8c: {  	[spmem:s3] =	stream.indirect.scatter.add.f32 [tilespmem:s16], [sflag:$0x6], $0x40, s30, s14, $0xb8;
	[tilespmem:$0x1C000] =	vst v63  }
0x8d: {  	_ =	swait.ge [sflag:s18], $0x2000  }
0x8e: {  	[sflag:s18] =	ssyncset.done $0x0  }
0x8f: {  	[sflag:s18] =	ssyncadd.s32 $0xFFFFE000  }
0x90: {  	[tilespmem:s23], [sflag:$0x4] =	stream.indirect.gather [hbm4b:s1+s14], $0x40, s28, s14, $0xb8;
	[tilespmem:$0x1C000] =	vst v63  }
0x91: {  	_ =	swait.ge [sflag:s24], $0x2000  }
0x92: {  	[sflag:s24] =	ssyncset.done $0x0  }
0x93: {  	s25 =	simm.s32 $0x9F00;
	[sflag:s24] =	ssyncadd.s32 $0xFFFFE000  }
0x94: {  	[spmem:s3] =	stream.indirect.scatter.add.f32 [tilespmem:s19], [sflag:$0x7], $0x40, s25, s14, $0xb8;
	[tilespmem:$0x1C000] =	vst v63  }
0x95: {  	_ =	swait.ge [sflag:s26], $0x2000  }
0x96: {  	[sflag:s26] =	ssyncset.done $0x0  }
0x97: {  	[sflag:s26] =	ssyncadd.s32 $0xFFFFE000  }
0x98: {  	[tilespmem:s15], [sflag:$0x1] =	stream.indirect.gather [hbm4b:s1+s14], $0x40, s28, s14, $0xb8;
	[tilespmem:$0x1C000] =	vst v63  }
0x99: {  	_ =	swait.ge [sflag:s29], $0x2000  }
0x9a: {  	[sflag:s29] =	ssyncset.done $0x0  }
0x9b: {  	s30 =	simm.s32 $0x9F80;
	[sflag:s29] =	ssyncadd.s32 $0xFFFFE000  }
0x9c: {  	[spmem:s3] =	stream.indirect.scatter.add.f32 [tilespmem:s23], [sflag:$0x8], $0x40, s30, s14, $0xb8;
	[tilespmem:$0x1C000] =	vst v63  }
0x9d: {  	_ =	swait.ge [sflag:s31], $0x2000  }
0x9e: {  	[sflag:s31] =	ssyncset.done $0x0  }
0x9f: {  	[sflag:s31] =	ssyncadd.s32 $0xFFFFE000  }
0xa0: {  	[tilespmem:s16], [sflag:$0x2] =	stream.indirect.gather [hbm4b:s1+s14], $0x40, s28, s14, $0xb8;
	[tilespmem:$0x1C000] =	vst v63  }
0xa1: {  	_ =	swait.ge [sflag:s0], $0x2000  }
0xa2: {  	[sflag:s0] =	ssyncset.done $0x0  }
0xa3: {  	[sflag:s0] =	ssyncadd.s32 $0xFFFFE000  }
0xa4: {  	_ =	swait.ge [sflag:s18], $0x2000  }
0xa5: {  	[sflag:s18] =	ssyncset.done $0x0  }
0xa6: {  	[sflag:s18] =	ssyncadd.s32 $0xFFFFE000  }
0xa7: {  	_ =	swait.ge [sflag:s17], $0x2000  }
0xa8: {  	[sflag:s17] =	ssyncset.done $0x0  }
0xa9: {  	[sflag:s17] =	ssyncadd.s32 $0xFFFFE000  }
0xaa: {  	_ =	swait.ge [sflag:s20], $0x2000  }
0xab: {  	s22 =	sadd.s32 $0x1, s22;
	[sflag:s20] =	ssyncset.done $0x0  }
0xac: {  	p0 =	sne.s32 s22, s10;
	[sflag:s20] =	ssyncadd.s32 $0xFFFFE000  }
.Ltmp1:
0xad: {  	[bflag:$0x0] =	sbarrier.arrive $0xFFFF;
	(pc) =	sbr.rel @p0 .LBB2_1-.Ltmp1, $4  }
0xae: {  	[hbm:s9@s21], [sflag:s6] =	dma.strided [spmem:s11@s18], $0x1400, s17, $0x8   }
0xaf: {  	_ =	swait.ge [sflag:s12], $0x1400  }
0xb0: {  	[sflag:s12] =	ssyncset.done $0x0  }
0xb1: {  	[sflag:s12] =	ssyncadd.s32 $0xFFFFEC00  }
0xb2: {  	_ =	sfence.sel $0x180000  }
0xb3: {  	[bflag:$0x0] =	sbarrier.arrive $0xFFFF  }
0xb4: {  	_ =	strace $0x9000004A  }
0xb5: {  	s0 =	stileid.u32;
	[bflag:$0x2] =	sbarrier.arrive $0xFFFF  }
0xb6: {  	p0 =	sne.s32 s0, $0x0;
	s0 =	rddreg [dreg:$0x3]  }
0xb7: {  	s0 =	sadd.s32 @!p0 $0x100000, s0  }
0xb8: {  	[sflag:s0] =	ssyncadd.tile.s32 @!p0 $0x1;
	_ =	shalt  }
.Lfunc_end2:
_tile_overlayer_lowered:
.L_overlay_start_2:
0xb9: {  	(tag) =	ssettag $0x2  }
0xba: {  	s0 =	rddreg [dreg:$0x0];
	s2 =	stileid.u32  }
0xbb: {  	s1 =	rddreg [dreg:$0x1];
	p0 =	sne.s32 s2, $0x0  }
0xbc: {  	s3 =	rddreg [dreg:$0x2];
	[bflag:$0x3] =	sbarrier.arrive $0xFFFF;
	s2 =	simm.s32 @!p0 $0x1C09  }
0xbd: {  	[timem:s3], [sflag:s2] =	dma.local @!p0 [hbm:s0], s1  }
0xbe: {  	s0 =	simm.s32 @!p0 $0x9  }
0xbf: {  	_ =	swait.ge @!p0 [sflag:s0], s1  }
0xc0: {  	s1 =	ssub.s32 @!p0 $0x0, s1;
	[sflag:s0] =	ssyncset.done @!p0 $0x0  }
0xc1: {  	[sflag:s0] =	ssyncadd.s32 @!p0 s1  }
0xc2: {  	[bflag:$0x3] =	sbarrier.arrive $0xFFFF  }
0xc3: {  	_ =	shalt  }

// kernel: kernel.14.cloned.1.call-start
scs
__scs_entry_jumppad:
0x0: {  	(pc) =	sbr.rel $0x88, $3  }
0x1: {  	(tag) =	ssettag $0x0;
	lr =	simm.s32 $0x1  }
0x2: {  	[smem:$0x3F9B] =	sst lr;
	_ =	strace $0xD0000000  }
0x3: {  	_ = 	snop  }
0x4: {  	_ = 	snop  }
0x5: {  	_ = 	snop  }
0x6: {  	_ = 	snop  }
0x7: {  	_ = 	snop  }
__scs_overlays_trampoline_lowered:
0x8: {  	[smem:$0x3FAA] =	sst s0  }
0x9: {  	[smem:$0x3FAB] =	sst s1  }
0xa: {  	[smem:$0x3FAC] =	sst s2  }
0xb: {  	[smem:$0x3FAD] =	sst s3  }
0xc: {  	[smem:$0x3FAE] =	sst s4  }
0xd: {  	[smem:$0x3FAF] =	sst s5  }
0xe: {  	[smem:$0x3FB0] =	sst s6  }
0xf: {  	[smem:$0x3FB1] =	sst s7  }
0x10: {  	[smem:$0x3FB2] =	sst s8  }
0x11: {  	[smem:$0x3FB3] =	sst s9;
	s0 =	simm.s32 @!p0 $0x0  }
0x12: {  	s1 =	sld [smem:$0x3F99];
	s0 =	simm.s32 @p0 $0x1  }
0x13: {  	[smem:$0x3FB4] =	sst s0;
	s0 =	simm.s32 @!p1 $0x0  }
0x14: {  	s2 =	sld [smem:$0x3F98];
	s0 =	simm.s32 @p1 $0x1  }
0x15: {  	[smem:$0x3FB5] =	sst s0;
	s0 =	simm.s32 @!p2 $0x0  }
0x16: {  	s3 =	sld [smem:$0x3FDB];
	s0 =	simm.s32 @p2 $0x1  }
0x17: {  	s4 =	simm.s32 $0x1BF5;
	[smem:$0x3FB7] =	sst s0  }
0x18: {  	s0 =	sld [smem:$0x3F9A];
	_ =	swait.ge [sflag:s4], $0x0  }
0x19: {  	s7 =	sld [smem:$0x3F9B]  }
0x1a: {  	s8 =	sadd.s32 $0xFFFFE003, lr  }
0x1b: {  	s9 =	sadd.s32 $0xFFFFFEF7, lr;
	s5 =	simm.s32 $0xFFFFFFFF;
	p2 =	slt.u32 s8, $0xFFFFF086  }
0x1c: {  	p1 =	slt.u32 s9, $0xF7A;
	s5 =	simm.s32 @!p2 $0x0  }
0x1d: {  	s5 =	simm.s32 @p1 $0x1;
	p0 =	seq.s32 s7, s2  }
0x1e: {  	s7 =	smul.u32 @!p0 $0xF7A, s2;
	p2 =	seq.s32 @!p0 s5, $0x0  }
0x1f: {  	s9 =	smul.u32 $0xF7A, s1;
	s8 =	simm.s32 @!p0 $0x1BF5;
	p2 =	por !p2, p0  }
0x20: {  	[sflag:s8] =	ssyncset.s32 @!p0 $0xFFFFF086;
	s6 =	sadd.s32 @!p0 s3, s7;
	s7 =	simm.s32 @!p0 $0x108  }
0x21: {  	s3 =	sadd.s32 s3, s9;
	s6 =	sadd.s32 @!p0 $0x88, s6;
	s7 =	simm.s32 @p2 $0x1082  }
0x22: {  	[simem:s7], [sflag:s8] =	dma.local @!p0 [hbm:s6], $0xF7A  }
0x23: {  	s9 =	sor.u32 $0xD0000000, s2;
	s6 =	simm.s32 $0x108;
	_ =	swait.ge @!p0 [sflag:s8], $0x0  }
0x24: {  	s3 =	sadd.s32 $0x88, s3;
	s6 =	simm.s32 @!p1 $0x1082;
	[sflag:s4] =	ssyncset.s32 $0xFFFFF086  }
0x25: {  	[simem:s6], [sflag:s4] =	dma.local [hbm:s3], $0xF7A  }
0x26: {  	[smem:$0x3F9B] =	sst s1;
	(tag) =	ssettag s2;
	_ =	strace s9  }
0x27: {  	s1 =	sld [smem:$0x3FAB]  }
0x28: {  	s2 =	sld [smem:$0x3FAC]  }
0x29: {  	s4 =	sld [smem:$0x3FAE]  }
0x2a: {  	p0 =	seq.s32 s5, $0x0;
	s5 =	sld [smem:$0x3FAF]  }
0x2b: {  	s6 =	sld [smem:$0x3FB0]  }
0x2c: {  	s7 =	sld [smem:$0x3FB1]  }
0x2d: {  	s3 =	simm.s32 $0x108;
	s8 =	sld [smem:$0x3FB2]  }
0x2e: {  	s3 =	simm.s32 @!p0 $0x1082;
	s9 =	sld [smem:$0x3FB3]  }
0x2f: {  	lr =	sadd.s32 s0, s3;
	s0 =	sld [smem:$0x3FAA]  }
0x30: {  	s3 =	sld [smem:$0x3FAD]  }
0x31: {  	[smem:$0x3FB6] =	sst s10  }
0x32: {  	s10 =	sld [smem:$0x3FB4];
	_ =	sdelay $0x3  }
0x33: {  	p0 =	seq.s32 s10, $0x1;
	s10 =	sld [smem:$0x3FB6];
	_ =	sdelay $0x3  }
0x34: {  	[smem:$0x3FB6] =	sst s10  }
0x35: {  	s10 =	sld [smem:$0x3FB5];
	_ =	sdelay $0x3  }
0x36: {  	p1 =	seq.s32 s10, $0x1;
	s10 =	sld [smem:$0x3FB6];
	_ =	sdelay $0x3  }
0x37: {  	[smem:$0x3FB6] =	sst s10  }
0x38: {  	s10 =	sld [smem:$0x3FB7]  }
0x39: {  	_ = 	snop;
	(pc) =	sbr.ind lr, $3  }
0x3a: {  	_ = 	snop  }
0x3b: {  	_ = 	snop  }
0x3c: {  	p2 =	seq.s32 s10, $0x1;
	s10 =	sld [smem:$0x3FB6]  }
0x3d: {  	_ =	shalt  }
0x3e: {  	_ =	shalt  }
0x3f: {  	_ =	shalt  }
0x40: {  	_ =	shalt  }
0x41: {  	_ =	shalt  }
0x42: {  	_ =	shalt  }
0x43: {  	_ =	shalt  }
0x44: {  	_ =	shalt  }
0x45: {  	_ =	shalt  }
0x46: {  	_ =	shalt  }
0x47: {  	_ =	shalt  }
0x48: {  	_ =	shalt  }
0x49: {  	_ =	shalt  }
0x4a: {  	_ =	shalt  }
0x4b: {  	_ =	shalt  }
0x4c: {  	_ =	shalt  }
0x4d: {  	_ =	shalt  }
0x4e: {  	_ =	shalt  }
0x4f: {  	_ =	shalt  }
0x50: {  	_ =	shalt  }
0x51: {  	_ =	shalt  }
0x52: {  	_ =	shalt  }
0x53: {  	_ =	shalt  }
0x54: {  	_ =	shalt  }
0x55: {  	_ =	shalt  }
0x56: {  	_ =	shalt  }
0x57: {  	_ =	shalt  }
0x58: {  	_ =	shalt  }
0x59: {  	_ =	shalt  }
0x5a: {  	_ =	shalt  }
0x5b: {  	_ =	shalt  }
0x5c: {  	_ =	shalt  }
0x5d: {  	_ =	shalt  }
0x5e: {  	_ =	shalt  }
0x5f: {  	_ =	shalt  }
0x60: {  	_ =	shalt  }
0x61: {  	_ =	shalt  }
0x62: {  	_ =	shalt  }
0x63: {  	_ =	shalt  }
0x64: {  	_ =	shalt  }
0x65: {  	_ =	shalt  }
0x66: {  	_ =	shalt  }
0x67: {  	_ =	shalt  }
0x68: {  	_ =	shalt  }
0x69: {  	_ =	shalt  }
0x6a: {  	_ =	shalt  }
0x6b: {  	_ =	shalt  }
0x6c: {  	_ =	shalt  }
0x6d: {  	_ =	shalt  }
0x6e: {  	_ =	shalt  }
0x6f: {  	_ =	shalt  }
0x70: {  	_ =	shalt  }
0x71: {  	_ =	shalt  }
0x72: {  	_ =	shalt  }
0x73: {  	_ =	shalt  }
0x74: {  	_ =	shalt  }
0x75: {  	_ =	shalt  }
0x76: {  	_ =	shalt  }
0x77: {  	_ =	shalt  }
0x78: {  	_ =	shalt  }
0x79: {  	_ =	shalt  }
0x7a: {  	_ =	shalt  }
0x7b: {  	_ =	shalt  }
0x7c: {  	_ =	shalt  }
0x7d: {  	_ =	shalt  }
0x7e: {  	_ =	shalt  }
0x7f: {  	_ =	shalt  }
0x80: {  	_ =	shalt  }
0x81: {  	_ =	shalt  }
0x82: {  	_ =	shalt  }
0x83: {  	_ =	shalt  }
0x84: {  	_ =	shalt  }
0x85: {  	_ =	shalt  }
0x86: {  	_ =	shalt  }
0x87: {  	_ =	shalt  }
.Lfunc_end0:
.L_simem_size_0:
called_computation.2_lowered:
.L_overlay_start_0:
0x88: {  	s2 =	sld [smem:$0x3FD9]  }
0x89: {  	s3 =	sld [smem:$0x3FFE];
	_ =	sdelay $0x1  }
0x8a: {  	s1 =	srdreg.scid  }
0x8b: {  	s0 =	sand.u32 $0x1, s1  }
0x8c: {  	s17 =	sshll.u32 s0, $0xA;
	s2 =	sadd.s32 s3, s2  }
0x8d: {  	s2 =	sadd.s32 s2, s17  }
0x8e: {  	[smem:$0x3FC2] =	sst s2  }
0x8f: {  	_ = 	snop  }
0x90: {  	s2 =	sld [smem:$0x3FD0];
	(tm) =	ssettm $0x1  }
0x91: {  	s18 =	sld [smem:$0x3FFB];
	_ =	sdelay $0x3  }
0x92: {  	_ =	strace s18  }
0x93: {  	s3 =	sld [smem:$0x3FFC];
	_ =	sdelay $0x3  }
0x94: {  	_ =	strace s3  }
0x95: {  	s3 =	sld [smem:$0x3FFD];
	_ =	sdelay $0x3  }
0x96: {  	_ =	strace s3  }
0x97: {  	_ =	strace $0x8FFFFFFF  }
0x98: {  	s19 =	sld [smem:$0x3FDB];
	_ =	sdelay $0x1  }
0x99: {  	s4 =	simm.s32 $_scs_section_size  }
0x9a: {  	s5 =	simm.s32 $_size__tile_overlayer_lowered;
	s6 =	simm.s32 $_tile_overlayer_lowered  }
0x9b: {  	s22 =	simm.s32 $0x1BFF;
	s21 =	sshll.u32 s6, $0x1;
	s3 =	sadd.s32 s4, s19  }
0x9c: {  	s7 =	simm.s32 $0x0;
	s20 =	sshll.u32 s5, $0x1;
	s5 =	sadd.s32 s21, s3  }
0x9d: {  	[timem:s7], [sflag:s22] =	dma.local [hbm:s5], s20  }
0x9e: {  	_ =	swait.ge [sflag:s22], s20  }
0x9f: {  	s4 =	ssub.s32 $0x0, s20;
	[sflag:s22] =	ssyncset.done $0x0  }
0xa0: {  	[sflag:s22] =	ssyncadd.s32 s4;
	_ =	sdelay $0x1  }
0xa1: {  	s23 =	simm.s32 $0x1B8B  }
0xa2: {  	_ =	swait.ge [sflag:s23], $0x1  }
0xa3: {  	[sflag:s23] =	ssyncset.done $0x0  }
0xa4: {  	s25 =	simm.s32 $0x1B8E;
	s24 =	sld [smem:$0x3FFE];
	[sflag:s23] =	ssyncadd.s32 $0xFFFFFFFF  }
0xa5: {  	s26 =	simm.s32 $execute0_lowered;
	[smem:$0x3FD2] =	sst s25  }
0xa6: {  	s5 =	sshll.u32 s26, $0x1;
	_ =	strace $0x8000004C;
	[dreg:$0x1] =	wrdreg $0xFFFFFFFF  }
0xa7: {  	s28 =	simm.s32 $_size_execute0_lowered;
	s3 =	sadd.s32 s3, s5;
	[dreg:$0x0] =	wrdreg $0x0  }
0xa8: {  	s5 =	sshll.u32 s28, $0x1;
	[dreg:$0x2] =	wrdreg s3  }
0xa9: {  	[dreg:$0x3] =	wrdreg s5  }
0xaa: {  	[dreg:$0x4] =	wrdreg $0xC0  }
0xab: {  	_ =	task [dreg:s7], $0x5FFFF  }
0xac: {  	[dreg:$0x1] =	wrdreg $0xFFFFFFFF  }
0xad: {  	[dreg:$0x0] =	wrdreg $0x60  }
0xae: {  	[dreg:$0x2] =	wrdreg s2  }
0xaf: {  	[dreg:$0x3] =	wrdreg s24  }
0xb0: {  	[dreg:$0x4] =	wrdreg $0x120000  }
0xb1: {  	[dreg:$0x5] =	wrdreg $0x9  }
0xb2: {  	_ =	task.clear_ibuf [dreg:s7], $0x6FFFF;
	_ =	strace $0x9000004C  }
0xb3: {  	s29 =	simm.s32 $0x9;
	_ =	strace $0x8000004E  }
0xb4: {  	_ =	swait.ge [sflag:s29], $0x1  }
0xb5: {  	[sflag:s29] =	ssyncadd.s32 $0xFFFFFFFF  }
0xb6: {  	_ =	strace $0x9000004E  }
0xb7: {  	_ =	sfence  }
0xb8: {  	s30 =	sld [smem:$0x0];
	_ =	sdelay $0x2  }
0xb9: {  	s31 =	sshll.u32 s1, $0xD;
	s1 =	sshrl.u32 s1, $0x2  }
0xba: {  	s3 =	sand.u32 $0x4000, s31;
	s1 =	sadd.s32 s1, s30  }
0xbb: {  	s0 =	sor.u32 s3, s0;
	s1 =	sshll.u32 s1, $0x11  }
0xbc: {  	s0 =	sor.u32 s1, s0  }
0xbd: {  	s0 =	sadd.s32 $0x8F2B, s0  }
0xbe: {  	[sflag:s0] =	ssyncadd.remote.s32 $0x1  }
0xbf: {  	_ =	sfence.sel $0xFFFF  }
0xc0: {  	[dreg:$0x0] =	wrdreg $0xFFFFFFFF;
	(pc) =	sbr.abs _section_cstart, $3  }
0xc1: {  	[dreg:$0x1] =	wrdreg $0xFFFFFFFF  }
0xc2: {  	_ =	task.clear_ibuf [dreg:s7], $0x2FFFF;
	_ =	strace $0x9FFFFFFF  }
0xc3: {  	(tm) =	ssettm $0x7FFFFFFF  }
tec
execute0_lowered:
.L_overlay_start_1:
0x0: {  	(tag) =	ssettag $0x1  }
0x1: {  	s1 =	rddreg [dreg:$0x0]  }
0x2: {  	s0 =	srdreg.scid;
	s2 =	rddreg [dreg:$0x1]  }
0x3: {  	s10 =	stileid.u32;
	s3 =	rddreg [dreg:$0x2]  }
0x4: {  	s4 =	simm.s32 $0x0;
	s12 =	simm.s32 $0x9;
	s13 =	simm.s32 $0x5000  }
0x5: {  	s14 =	simm.s32 $0x80;
	s15 =	simm.s32 $0xA000;
	s16 =	simm.s32 $0xC000  }
0x6: {  	s17 =	simm.s32 $0x1;
	s19 =	simm.s32 $0xE000;
	s20 =	simm.s32 $0x2  }
0x7: {  	s23 =	simm.s32 $0x10000;
	s29 =	simm.s32 $0x4;
	s31 =	simm.s32 $0x6  }
0x8: {  	s18 =	simm.s32 $0x8;
	s28 =	simm.s32 $0x4F80;
	s5 =	smul.u32 $0x5000, s10  }
0x9: {  	s21 =	simm.s32 $0x10;
	s22 =	simm.s32 $0x0;
	s7 =	smul.u32 $0x14000, s10  }
0xa: {  	s0 =	sand.u32 $0x1, s0;
	[smem:$0x7FF] =	sst s4;
	s25 =	smul.u32 $0x28000, s10  }
0xb: {  	s6 =	smul.u32 $0x50000, s0;
	s24 =	sshll.u32 s0, $0x6;
	s0 =	ssub.s32 $0x2, s0  }
0xc: {  	s30 =	sshll.u32 s10, $0x6;
	_ =	strace $0x8000004D;
	s26 =	sshrl.u32 s0, $0x1  }
0xd: {  	s6 =	sadd.s32 s5, s6;
	s5 =	sshrl.u32 s5, $0x3;
	s0 =	ssub.s32 s0, s26  }
0xe: {  	s26 =	simm.s32 $0x5;
	s6 =	sshrl.u32 s6, $0x3;
	s9 =	sadd.s32 s5, s2  }
0xf: {  	s5 =	sadd.s32 $0x21200, s2;
	s10 =	smax.u32 s0, $0x1;
	s0 =	simm.s32 $0x7  }
0x10: {  	s8 =	sadd.s32 s6, s2;
	s6 =	sor.u32 s24, s7;
	s7 =	sshrl.u32 s25, $0x2  }
0x11: {  	s24 =	simm.s32 $0x3;
	s6 =	sshrl.u32 s6, $0x3;
	s11 =	sadd.s32 s7, s3  }
0x12: {  	s7 =	sadd.s32 $0xD200, s8;
	s8 =	sadd.s32 $0x2E00, s9;
	s2 =	sadd.s32 s6, s2  }
0x13: {  	s6 =	sor.u32 $0x1C09, s30;
	s11 =	sshrl.u32 s11, $0x3;
	s9 =	sadd.s32 $0x22600, s2  }
.LBB2_1:
0x14: {  	[spmem:s11], [sflag:s6] =	dma.local [hbm:s5], $0x1400  }
0x15: {  	_ =	swait.ge [sflag:s12], $0x1400  }
0x16: {  	[sflag:s12] =	ssyncset.done $0x0  }
0x17: {  	[sflag:s12] =	ssyncadd.s32 $0xFFFFEC00  }
0x18: {  	[tilespmem:s4], [sflag:$0x9] =	stream.linear.gather [hbm4b:s7+s4], $0x5000, $0x38;
	[tilespmem:$0x1C000] =	vst v63  }
0x19: {  	_ =	swait.ge [sflag:s12], $0x5000  }
0x1a: {  	[sflag:s12] =	ssyncset.done $0x0  }
0x1b: {  	[sflag:s12] =	ssyncadd.s32 $0xFFFFB000  }
0x1c: {  	[tilespmem:s13], [sflag:$0x9] =	stream.linear.gather [hbm4b:s8+s4], $0x5000, $0x38;
	[tilespmem:$0x1C000] =	vst v63  }
0x1d: {  	_ =	swait.ge [sflag:s12], $0x5000  }
0x1e: {  	[sflag:s12] =	ssyncset.done $0x0  }
0x1f: {  	[sflag:s12] =	ssyncadd.s32 $0xFFFFB000  }
0x20: {  	[bflag:$0x0] =	sbarrier.arrive $0xFFFF  }
0x21: {  	[tilespmem:s15], [sflag:$0x1] =	stream.indirect.gather [hbm4b:s1+s14], $0x40, s4, s14, $0xb8;
	[tilespmem:$0x1C000] =	vst v63  }
0x22: {  	_ = 	snop  }
0x23: {  	[tilespmem:s16], [sflag:$0x2] =	stream.indirect.gather [hbm4b:s1+s14], $0x40, s14, s14, $0xb8;
	[tilespmem:$0x1C000] =	vst v63  }
0x24: {  	_ =	swait.ge [sflag:s17], $0x2000  }
0x25: {  	[sflag:s17] =	ssyncset.done $0x0  }
0x26: {  	[sflag:s17] =	ssyncadd.s32 $0xFFFFE000  }
0x27: {  	[spmem:s3] =	stream.indirect.scatter.add.f32 [tilespmem:s15], [sflag:$0x5], $0x40, s13, s14, $0xb8;
	[tilespmem:$0x1C000] =	vst v63  }
0x28: {  	s2 =	simm.s32 $0x100  }
0x29: {  	[tilespmem:s19], [sflag:$0x3] =	stream.indirect.gather [hbm4b:s1+s14], $0x40, s2, s14, $0xb8;
	[tilespmem:$0x1C000] =	vst v63  }
0x2a: {  	_ =	swait.ge [sflag:s20], $0x2000  }
0x2b: {  	[sflag:s20] =	ssyncset.done $0x0  }
0x2c: {  	s25 =	simm.s32 $0x5080;
	[sflag:s20] =	ssyncadd.s32 $0xFFFFE000  }
0x2d: {  	[spmem:s3] =	stream.indirect.scatter.add.f32 [tilespmem:s16], [sflag:$0x6], $0x40, s25, s14, $0xb8;
	[tilespmem:$0x1C000] =	vst v63  }
0x2e: {  	s25 =	simm.s32 $0x180  }
0x2f: {  	[tilespmem:s23], [sflag:$0x4] =	stream.indirect.gather [hbm4b:s1+s14], $0x40, s25, s14, $0xb8;
	[tilespmem:$0x1C000] =	vst v63  }
0x30: {  	_ =	swait.ge [sflag:s24], $0x2000  }
0x31: {  	[sflag:s24] =	ssyncset.done $0x0  }
0x32: {  	s25 =	simm.s32 $0x5100;
	[sflag:s24] =	ssyncadd.s32 $0xFFFFE000  }
0x33: {  	[spmem:s3] =	stream.indirect.scatter.add.f32 [tilespmem:s19], [sflag:$0x7], $0x40, s25, s14, $0xb8;
	[tilespmem:$0x1C000] =	vst v63  }
0x34: {  	_ =	swait.ge [sflag:s26], $0x2000  }
0x35: {  	[sflag:s26] =	ssyncset.done $0x0  }
0x36: {  	s25 =	simm.s32 $0x200;
	[sflag:s26] =	ssyncadd.s32 $0xFFFFE000  }
0x37: {  	[tilespmem:s15], [sflag:$0x1] =	stream.indirect.gather [hbm4b:s1+s14], $0x40, s25, s14, $0xb8;
	[tilespmem:$0x1C000] =	vst v63  }
0x38: {  	_ =	swait.ge [sflag:s29], $0x2000  }
0x39: {  	[sflag:s29] =	ssyncset.done $0x0  }
0x3a: {  	s25 =	simm.s32 $0x5180;
	[sflag:s29] =	ssyncadd.s32 $0xFFFFE000  }
0x3b: {  	[spmem:s3] =	stream.indirect.scatter.add.f32 [tilespmem:s23], [sflag:$0x8], $0x40, s25, s14, $0xb8;
	[tilespmem:$0x1C000] =	vst v63  }
0x3c: {  	_ =	swait.ge [sflag:s31], $0x2000  }
0x3d: {  	[sflag:s31] =	ssyncset.done $0x0  }
0x3e: {  	s25 =	simm.s32 $0x280;
	[sflag:s31] =	ssyncadd.s32 $0xFFFFE000  }
0x3f: {  	[tilespmem:s16], [sflag:$0x2] =	stream.indirect.gather [hbm4b:s1+s14], $0x40, s25, s14, $0xb8;
	[tilespmem:$0x1C000] =	vst v63  }
0x40: {  	_ =	swait.ge [sflag:s17], $0x2000  }
0x41: {  	[sflag:s17] =	ssyncset.done $0x0  }
0x42: {  	s25 =	simm.s32 $0x5200;
	[sflag:s17] =	ssyncadd.s32 $0xFFFFE000  }
0x43: {  	[spmem:s3] =	stream.indirect.scatter.add.f32 [tilespmem:s15], [sflag:$0x5], $0x40, s25, s14, $0xb8;
	[tilespmem:$0x1C000] =	vst v63  }
0x44: {  	_ =	swait.ge [sflag:s0], $0x2000  }
0x45: {  	[sflag:s0] =	ssyncset.done $0x0  }
0x46: {  	s2 =	simm.s32 $0x300;
	[sflag:s0] =	ssyncadd.s32 $0xFFFFE000  }
0x47: {  	[tilespmem:s19], [sflag:$0x3] =	stream.indirect.gather [hbm4b:s1+s14], $0x40, s2, s14, $0xb8;
	[tilespmem:$0x1C000] =	vst v63  }
0x48: {  	_ =	swait.ge [sflag:s20], $0x2000  }
0x49: {  	[sflag:s20] =	ssyncset.done $0x0  }
0x4a: {  	s2 =	simm.s32 $0x5280;
	[sflag:s20] =	ssyncadd.s32 $0xFFFFE000  }
0x4b: {  	[spmem:s3] =	stream.indirect.scatter.add.f32 [tilespmem:s16], [sflag:$0x6], $0x40, s2, s14, $0xb8;
	[tilespmem:$0x1C000] =	vst v63  }
0x4c: {  	_ =	swait.ge [sflag:s18], $0x2000  }
0x4d: {  	[sflag:s18] =	ssyncset.done $0x0  }
0x4e: {  	s2 =	simm.s32 $0x380;
	[sflag:s18] =	ssyncadd.s32 $0xFFFFE000  }
0x4f: {  	[tilespmem:s23], [sflag:$0x4] =	stream.indirect.gather [hbm4b:s1+s14], $0x40, s2, s14, $0xb8;
	[tilespmem:$0x1C000] =	vst v63  }
0x50: {  	_ =	swait.ge [sflag:s24], $0x2000  }
0x51: {  	[sflag:s24] =	ssyncset.done $0x0  }
0x52: {  	s2 =	simm.s32 $0x5300;
	[sflag:s24] =	ssyncadd.s32 $0xFFFFE000  }
0x53: {  	[spmem:s3] =	stream.indirect.scatter.add.f32 [tilespmem:s19], [sflag:$0x7], $0x40, s2, s14, $0xb8;
	[tilespmem:$0x1C000] =	vst v63  }
0x54: {  	_ =	swait.ge [sflag:s26], $0x2000  }
0x55: {  	[sflag:s26] =	ssyncset.done $0x0  }
0x56: {  	s2 =	simm.s32 $0x400;
	[sflag:s26] =	ssyncadd.s32 $0xFFFFE000  }
0x57: {  	[tilespmem:s15], [sflag:$0x1] =	stream.indirect.gather [hbm4b:s1+s14], $0x40, s2, s14, $0xb8;
	[tilespmem:$0x1C000] =	vst v63  }
0x58: {  	_ =	swait.ge [sflag:s29], $0x2000  }
0x59: {  	[sflag:s29] =	ssyncset.done $0x0  }
0x5a: {  	s2 =	simm.s32 $0x5380;
	[sflag:s29] =	ssyncadd.s32 $0xFFFFE000  }
0x5b: {  	[spmem:s3] =	stream.indirect.scatter.add.f32 [tilespmem:s23], [sflag:$0x8], $0x40, s2, s14, $0xb8;
	[tilespmem:$0x1C000] =	vst v63  }
0x5c: {  	_ =	swait.ge [sflag:s31], $0x2000  }
0x5d: {  	[sflag:s31] =	ssyncset.done $0x0  }
0x5e: {  	s30 =	simm.s32 $0x480;
	s25 =	simm.s32 $0x800;
	[sflag:s31] =	ssyncadd.s32 $0xFFFFE000  }
.LBB2_2:
0x5f: {  	[tilespmem:s16], [sflag:$0x2] =	stream.indirect.gather [hbm4b:s1+s14], $0x40, s30, s14, $0xb8;
	[tilespmem:$0x1C000] =	vst v63  }
0x60: {  	s30 =	smov.u32 s25  }
0x61: {  	p0 =	sne.s32 s25, $0x12800;
	s25 =	sadd.s32 $0x800, s25;
	_ =	swait.ge [sflag:s17], $0x2000  }
0x62: {  	s30 =	sshra.s32 s30, $0x2;
	[sflag:s17] =	ssyncset.done $0x0  }
0x63: {  	s2 =	sadd.s32 $0x5200, s30;
	[sflag:s17] =	ssyncadd.s32 $0xFFFFE000  }
0x64: {  	[spmem:s3] =	stream.indirect.scatter.add.f32 [tilespmem:s15], [sflag:$0x5], $0x40, s2, s14, $0xb8;
	[tilespmem:$0x1C000] =	vst v63  }
0x65: {  	_ =	swait.ge [sflag:s0], $0x2000  }
0x66: {  	[sflag:s0] =	ssyncset.done $0x0  }
0x67: {  	s2 =	sadd.s32 $0x300, s30;
	[sflag:s0] =	ssyncadd.s32 $0xFFFFE000  }
0x68: {  	[tilespmem:s19], [sflag:$0x3] =	stream.indirect.gather [hbm4b:s1+s14], $0x40, s2, s14, $0xb8;
	[tilespmem:$0x1C000] =	vst v63  }
0x69: {  	_ =	swait.ge [sflag:s20], $0x2000  }
0x6a: {  	[sflag:s20] =	ssyncset.done $0x0  }
0x6b: {  	s2 =	sadd.s32 $0x5280, s30;
	[sflag:s20] =	ssyncadd.s32 $0xFFFFE000  }
0x6c: {  	[spmem:s3] =	stream.indirect.scatter.add.f32 [tilespmem:s16], [sflag:$0x6], $0x40, s2, s14, $0xb8;
	[tilespmem:$0x1C000] =	vst v63  }
0x6d: {  	_ =	swait.ge [sflag:s18], $0x2000  }
0x6e: {  	[sflag:s18] =	ssyncset.done $0x0  }
0x6f: {  	s2 =	sadd.s32 $0x380, s30;
	[sflag:s18] =	ssyncadd.s32 $0xFFFFE000  }
0x70: {  	[tilespmem:s23], [sflag:$0x4] =	stream.indirect.gather [hbm4b:s1+s14], $0x40, s2, s14, $0xb8;
	[tilespmem:$0x1C000] =	vst v63  }
0x71: {  	_ =	swait.ge [sflag:s24], $0x2000  }
0x72: {  	[sflag:s24] =	ssyncset.done $0x0  }
0x73: {  	s2 =	sadd.s32 $0x5300, s30;
	[sflag:s24] =	ssyncadd.s32 $0xFFFFE000  }
0x74: {  	[spmem:s3] =	stream.indirect.scatter.add.f32 [tilespmem:s19], [sflag:$0x7], $0x40, s2, s14, $0xb8;
	[tilespmem:$0x1C000] =	vst v63  }
0x75: {  	_ =	swait.ge [sflag:s26], $0x2000  }
0x76: {  	[sflag:s26] =	ssyncset.done $0x0  }
0x77: {  	s2 =	sadd.s32 $0x400, s30;
	[sflag:s26] =	ssyncadd.s32 $0xFFFFE000  }
0x78: {  	[tilespmem:s15], [sflag:$0x1] =	stream.indirect.gather [hbm4b:s1+s14], $0x40, s2, s14, $0xb8;
	[tilespmem:$0x1C000] =	vst v63  }
0x79: {  	_ =	swait.ge [sflag:s29], $0x2000  }
0x7a: {  	[sflag:s29] =	ssyncset.done $0x0  }
.Ltmp0:
0x7b: {  	s2 =	sadd.s32 $0x5380, s30;
	[sflag:s29] =	ssyncadd.s32 $0xFFFFE000;
	(pc) =	sbr.rel @p0 .LBB2_2-.Ltmp0, $4  }
0x7c: {  	[spmem:s3] =	stream.indirect.scatter.add.f32 [tilespmem:s23], [sflag:$0x8], $0x40, s2, s14, $0xb8;
	[tilespmem:$0x1C000] =	vst v63  }
0x7d: {  	_ =	swait.ge [sflag:s31], $0x2000  }
0x7e: {  	[sflag:s31] =	ssyncset.done $0x0  }
0x7f: {  	s30 =	sadd.s32 $0x480, s30;
	[sflag:s31] =	ssyncadd.s32 $0xFFFFE000  }
0x80: {  	[tilespmem:s16], [sflag:$0x2] =	stream.indirect.gather [hbm4b:s1+s14], $0x40, s30, s14, $0xb8;
	[tilespmem:$0x1C000] =	vst v63  }
0x81: {  	_ =	swait.ge [sflag:s17], $0x2000  }
0x82: {  	[sflag:s17] =	ssyncset.done $0x0  }
0x83: {  	s2 =	simm.s32 $0x9E00;
	[sflag:s17] =	ssyncadd.s32 $0xFFFFE000  }
0x84: {  	[spmem:s3] =	stream.indirect.scatter.add.f32 [tilespmem:s15], [sflag:$0x5], $0x40, s2, s14, $0xb8;
	[tilespmem:$0x1C000] =	vst v63  }
0x85: {  	_ =	swait.ge [sflag:s0], $0x2000  }
0x86: {  	[sflag:s0] =	ssyncset.done $0x0  }
0x87: {  	s25 =	simm.s32 $0x4F00;
	[sflag:s0] =	ssyncadd.s32 $0xFFFFE000  }
0x88: {  	[tilespmem:s19], [sflag:$0x3] =	stream.indirect.gather [hbm4b:s1+s14], $0x40, s25, s14, $0xb8;
	[tilespmem:$0x1C000] =	vst v63  }
0x89: {  	_ =	swait.ge [sflag:s20], $0x2000  }
0x8a: {  	[sflag:s20] =	ssyncset.done $0x0  }
0x8b: {  	s30 =	simm.s32 $0x9E80;
	[sflag:s20] =	ssyncadd.s32 $0xFFFFE000  }
0x8c: {  	[spmem:s3] =	stream.indirect.scatter.add.f32 [tilespmem:s16], [sflag:$0x6], $0x40, s30, s14, $0xb8;
	[tilespmem:$0x1C000] =	vst v63  }
0x8d: {  	_ =	swait.ge [sflag:s18], $0x2000  }
0x8e: {  	[sflag:s18] =	ssyncset.done $0x0  }
0x8f: {  	[sflag:s18] =	ssyncadd.s32 $0xFFFFE000  }
0x90: {  	[tilespmem:s23], [sflag:$0x4] =	stream.indirect.gather [hbm4b:s1+s14], $0x40, s28, s14, $0xb8;
	[tilespmem:$0x1C000] =	vst v63  }
0x91: {  	_ =	swait.ge [sflag:s24], $0x2000  }
0x92: {  	[sflag:s24] =	ssyncset.done $0x0  }
0x93: {  	s25 =	simm.s32 $0x9F00;
	[sflag:s24] =	ssyncadd.s32 $0xFFFFE000  }
0x94: {  	[spmem:s3] =	stream.indirect.scatter.add.f32 [tilespmem:s19], [sflag:$0x7], $0x40, s25, s14, $0xb8;
	[tilespmem:$0x1C000] =	vst v63  }
0x95: {  	_ =	swait.ge [sflag:s26], $0x2000  }
0x96: {  	[sflag:s26] =	ssyncset.done $0x0  }
0x97: {  	[sflag:s26] =	ssyncadd.s32 $0xFFFFE000  }
0x98: {  	[tilespmem:s15], [sflag:$0x1] =	stream.indirect.gather [hbm4b:s1+s14], $0x40, s28, s14, $0xb8;
	[tilespmem:$0x1C000] =	vst v63  }
0x99: {  	_ =	swait.ge [sflag:s29], $0x2000  }
0x9a: {  	[sflag:s29] =	ssyncset.done $0x0  }
0x9b: {  	s30 =	simm.s32 $0x9F80;
	[sflag:s29] =	ssyncadd.s32 $0xFFFFE000  }
0x9c: {  	[spmem:s3] =	stream.indirect.scatter.add.f32 [tilespmem:s23], [sflag:$0x8], $0x40, s30, s14, $0xb8;
	[tilespmem:$0x1C000] =	vst v63  }
0x9d: {  	_ =	swait.ge [sflag:s31], $0x2000  }
0x9e: {  	[sflag:s31] =	ssyncset.done $0x0  }
0x9f: {  	[sflag:s31] =	ssyncadd.s32 $0xFFFFE000  }
0xa0: {  	[tilespmem:s16], [sflag:$0x2] =	stream.indirect.gather [hbm4b:s1+s14], $0x40, s28, s14, $0xb8;
	[tilespmem:$0x1C000] =	vst v63  }
0xa1: {  	_ =	swait.ge [sflag:s0], $0x2000  }
0xa2: {  	[sflag:s0] =	ssyncset.done $0x0  }
0xa3: {  	[sflag:s0] =	ssyncadd.s32 $0xFFFFE000  }
0xa4: {  	_ =	swait.ge [sflag:s18], $0x2000  }
0xa5: {  	[sflag:s18] =	ssyncset.done $0x0  }
0xa6: {  	[sflag:s18] =	ssyncadd.s32 $0xFFFFE000  }
0xa7: {  	_ =	swait.ge [sflag:s17], $0x2000  }
0xa8: {  	[sflag:s17] =	ssyncset.done $0x0  }
0xa9: {  	[sflag:s17] =	ssyncadd.s32 $0xFFFFE000  }
0xaa: {  	_ =	swait.ge [sflag:s20], $0x2000  }
0xab: {  	s22 =	sadd.s32 $0x1, s22;
	[sflag:s20] =	ssyncset.done $0x0  }
0xac: {  	p0 =	sne.s32 s22, s10;
	[sflag:s20] =	ssyncadd.s32 $0xFFFFE000  }
.Ltmp1:
0xad: {  	[bflag:$0x0] =	sbarrier.arrive $0xFFFF;
	(pc) =	sbr.rel @p0 .LBB2_1-.Ltmp1, $4  }
0xae: {  	[hbm:s9@s21], [sflag:s6] =	dma.strided [spmem:s11@s18], $0x1400, s17, $0x8   }
0xaf: {  	_ =	swait.ge [sflag:s12], $0x1400  }
0xb0: {  	[sflag:s12] =	ssyncset.done $0x0  }
0xb1: {  	[sflag:s12] =	ssyncadd.s32 $0xFFFFEC00  }
0xb2: {  	_ =	sfence.sel $0x180000  }
0xb3: {  	[bflag:$0x0] =	sbarrier.arrive $0xFFFF  }
0xb4: {  	_ =	strace $0x9000004D  }
0xb5: {  	s0 =	stileid.u32;
	[bflag:$0x2] =	sbarrier.arrive $0xFFFF  }
0xb6: {  	p0 =	sne.s32 s0, $0x0;
	s0 =	rddreg [dreg:$0x3]  }
0xb7: {  	s0 =	sadd.s32 @!p0 $0x100000, s0  }
0xb8: {  	[sflag:s0] =	ssyncadd.tile.s32 @!p0 $0x1;
	_ =	shalt  }
.Lfunc_end2:
_tile_overlayer_lowered:
.L_overlay_start_2:
0xb9: {  	(tag) =	ssettag $0x2  }
0xba: {  	s0 =	rddreg [dreg:$0x0];
	s2 =	stileid.u32  }
0xbb: {  	s1 =	rddreg [dreg:$0x1];
	p0 =	sne.s32 s2, $0x0  }
0xbc: {  	s3 =	rddreg [dreg:$0x2];
	[bflag:$0x3] =	sbarrier.arrive $0xFFFF;
	s2 =	simm.s32 @!p0 $0x1C09  }
0xbd: {  	[timem:s3], [sflag:s2] =	dma.local @!p0 [hbm:s0], s1  }
0xbe: {  	s0 =	simm.s32 @!p0 $0x9  }
0xbf: {  	_ =	swait.ge @!p0 [sflag:s0], s1  }
0xc0: {  	s1 =	ssub.s32 @!p0 $0x0, s1;
	[sflag:s0] =	ssyncset.done @!p0 $0x0  }
0xc1: {  	[sflag:s0] =	ssyncadd.s32 @!p0 s1  }
0xc2: {  	[bflag:$0x3] =	sbarrier.arrive $0xFFFF  }
0xc3: {  	_ =	shalt  }

// kernel: kernel.8.cloned.1.call-start
scs
__scs_entry_jumppad:
0x0: {  	(pc) =	sbr.rel $0x88, $3  }
0x1: {  	(tag) =	ssettag $0x0;
	lr =	simm.s32 $0x1  }
0x2: {  	[smem:$0x3F9B] =	sst lr;
	_ =	strace $0xD0000000  }
0x3: {  	_ = 	snop  }
0x4: {  	_ = 	snop  }
0x5: {  	_ = 	snop  }
0x6: {  	_ = 	snop  }
0x7: {  	_ = 	snop  }
__scs_overlays_trampoline_lowered:
0x8: {  	[smem:$0x3FAA] =	sst s0  }
0x9: {  	[smem:$0x3FAB] =	sst s1  }
0xa: {  	[smem:$0x3FAC] =	sst s2  }
0xb: {  	[smem:$0x3FAD] =	sst s3  }
0xc: {  	[smem:$0x3FAE] =	sst s4  }
0xd: {  	[smem:$0x3FAF] =	sst s5  }
0xe: {  	[smem:$0x3FB0] =	sst s6  }
0xf: {  	[smem:$0x3FB1] =	sst s7  }
0x10: {  	[smem:$0x3FB2] =	sst s8  }
0x11: {  	[smem:$0x3FB3] =	sst s9;
	s0 =	simm.s32 @!p0 $0x0  }
0x12: {  	s1 =	sld [smem:$0x3F99];
	s0 =	simm.s32 @p0 $0x1  }
0x13: {  	[smem:$0x3FB4] =	sst s0;
	s0 =	simm.s32 @!p1 $0x0  }
0x14: {  	s2 =	sld [smem:$0x3F98];
	s0 =	simm.s32 @p1 $0x1  }
0x15: {  	[smem:$0x3FB5] =	sst s0;
	s0 =	simm.s32 @!p2 $0x0  }
0x16: {  	s3 =	sld [smem:$0x3FDB];
	s0 =	simm.s32 @p2 $0x1  }
0x17: {  	s4 =	simm.s32 $0x1BF5;
	[smem:$0x3FB7] =	sst s0  }
0x18: {  	s0 =	sld [smem:$0x3F9A];
	_ =	swait.ge [sflag:s4], $0x0  }
0x19: {  	s7 =	sld [smem:$0x3F9B]  }
0x1a: {  	s8 =	sadd.s32 $0xFFFFE003, lr  }
0x1b: {  	s9 =	sadd.s32 $0xFFFFFEF7, lr;
	s5 =	simm.s32 $0xFFFFFFFF;
	p2 =	slt.u32 s8, $0xFFFFF086  }
0x1c: {  	p1 =	slt.u32 s9, $0xF7A;
	s5 =	simm.s32 @!p2 $0x0  }
0x1d: {  	s5 =	simm.s32 @p1 $0x1;
	p0 =	seq.s32 s7, s2  }
0x1e: {  	s7 =	smul.u32 @!p0 $0xF7A, s2;
	p2 =	seq.s32 @!p0 s5, $0x0  }
0x1f: {  	s9 =	smul.u32 $0xF7A, s1;
	s8 =	simm.s32 @!p0 $0x1BF5;
	p2 =	por !p2, p0  }
0x20: {  	[sflag:s8] =	ssyncset.s32 @!p0 $0xFFFFF086;
	s6 =	sadd.s32 @!p0 s3, s7;
	s7 =	simm.s32 @!p0 $0x108  }
0x21: {  	s3 =	sadd.s32 s3, s9;
	s6 =	sadd.s32 @!p0 $0x88, s6;
	s7 =	simm.s32 @p2 $0x1082  }
0x22: {  	[simem:s7], [sflag:s8] =	dma.local @!p0 [hbm:s6], $0xF7A  }
0x23: {  	s9 =	sor.u32 $0xD0000000, s2;
	s6 =	simm.s32 $0x108;
	_ =	swait.ge @!p0 [sflag:s8], $0x0  }
0x24: {  	s3 =	sadd.s32 $0x88, s3;
	s6 =	simm.s32 @!p1 $0x1082;
	[sflag:s4] =	ssyncset.s32 $0xFFFFF086  }
0x25: {  	[simem:s6], [sflag:s4] =	dma.local [hbm:s3], $0xF7A  }
0x26: {  	[smem:$0x3F9B] =	sst s1;
	(tag) =	ssettag s2;
	_ =	strace s9  }
0x27: {  	s1 =	sld [smem:$0x3FAB]  }
0x28: {  	s2 =	sld [smem:$0x3FAC]  }
0x29: {  	s4 =	sld [smem:$0x3FAE]  }
0x2a: {  	p0 =	seq.s32 s5, $0x0;
	s5 =	sld [smem:$0x3FAF]  }
0x2b: {  	s6 =	sld [smem:$0x3FB0]  }
0x2c: {  	s7 =	sld [smem:$0x3FB1]  }
0x2d: {  	s3 =	simm.s32 $0x108;
	s8 =	sld [smem:$0x3FB2]  }
0x2e: {  	s3 =	simm.s32 @!p0 $0x1082;
	s9 =	sld [smem:$0x3FB3]  }
0x2f: {  	lr =	sadd.s32 s0, s3;
	s0 =	sld [smem:$0x3FAA]  }
0x30: {  	s3 =	sld [smem:$0x3FAD]  }
0x31: {  	[smem:$0x3FB6] =	sst s10  }
0x32: {  	s10 =	sld [smem:$0x3FB4];
	_ =	sdelay $0x3  }
0x33: {  	p0 =	seq.s32 s10, $0x1;
	s10 =	sld [smem:$0x3FB6];
	_ =	sdelay $0x3  }
0x34: {  	[smem:$0x3FB6] =	sst s10  }
0x35: {  	s10 =	sld [smem:$0x3FB5];
	_ =	sdelay $0x3  }
0x36: {  	p1 =	seq.s32 s10, $0x1;
	s10 =	sld [smem:$0x3FB6];
	_ =	sdelay $0x3  }
0x37: {  	[smem:$0x3FB6] =	sst s10  }
0x38: {  	s10 =	sld [smem:$0x3FB7]  }
0x39: {  	_ = 	snop;
	(pc) =	sbr.ind lr, $3  }
0x3a: {  	_ = 	snop  }
0x3b: {  	_ = 	snop  }
0x3c: {  	p2 =	seq.s32 s10, $0x1;
	s10 =	sld [smem:$0x3FB6]  }
0x3d: {  	_ =	shalt  }
0x3e: {  	_ =	shalt  }
0x3f: {  	_ =	shalt  }
0x40: {  	_ =	shalt  }
0x41: {  	_ =	shalt  }
0x42: {  	_ =	shalt  }
0x43: {  	_ =	shalt  }
0x44: {  	_ =	shalt  }
0x45: {  	_ =	shalt  }
0x46: {  	_ =	shalt  }
0x47: {  	_ =	shalt  }
0x48: {  	_ =	shalt  }
0x49: {  	_ =	shalt  }
0x4a: {  	_ =	shalt  }
0x4b: {  	_ =	shalt  }
0x4c: {  	_ =	shalt  }
0x4d: {  	_ =	shalt  }
0x4e: {  	_ =	shalt  }
0x4f: {  	_ =	shalt  }
0x50: {  	_ =	shalt  }
0x51: {  	_ =	shalt  }
0x52: {  	_ =	shalt  }
0x53: {  	_ =	shalt  }
0x54: {  	_ =	shalt  }
0x55: {  	_ =	shalt  }
0x56: {  	_ =	shalt  }
0x57: {  	_ =	shalt  }
0x58: {  	_ =	shalt  }
0x59: {  	_ =	shalt  }
0x5a: {  	_ =	shalt  }
0x5b: {  	_ =	shalt  }
0x5c: {  	_ =	shalt  }
0x5d: {  	_ =	shalt  }
0x5e: {  	_ =	shalt  }
0x5f: {  	_ =	shalt  }
0x60: {  	_ =	shalt  }
0x61: {  	_ =	shalt  }
0x62: {  	_ =	shalt  }
0x63: {  	_ =	shalt  }
0x64: {  	_ =	shalt  }
0x65: {  	_ =	shalt  }
0x66: {  	_ =	shalt  }
0x67: {  	_ =	shalt  }
0x68: {  	_ =	shalt  }
0x69: {  	_ =	shalt  }
0x6a: {  	_ =	shalt  }
0x6b: {  	_ =	shalt  }
0x6c: {  	_ =	shalt  }
0x6d: {  	_ =	shalt  }
0x6e: {  	_ =	shalt  }
0x6f: {  	_ =	shalt  }
0x70: {  	_ =	shalt  }
0x71: {  	_ =	shalt  }
0x72: {  	_ =	shalt  }
0x73: {  	_ =	shalt  }
0x74: {  	_ =	shalt  }
0x75: {  	_ =	shalt  }
0x76: {  	_ =	shalt  }
0x77: {  	_ =	shalt  }
0x78: {  	_ =	shalt  }
0x79: {  	_ =	shalt  }
0x7a: {  	_ =	shalt  }
0x7b: {  	_ =	shalt  }
0x7c: {  	_ =	shalt  }
0x7d: {  	_ =	shalt  }
0x7e: {  	_ =	shalt  }
0x7f: {  	_ =	shalt  }
0x80: {  	_ =	shalt  }
0x81: {  	_ =	shalt  }
0x82: {  	_ =	shalt  }
0x83: {  	_ =	shalt  }
0x84: {  	_ =	shalt  }
0x85: {  	_ =	shalt  }
0x86: {  	_ =	shalt  }
0x87: {  	_ =	shalt  }
.Lfunc_end0:
.L_simem_size_0:
called_computation_lowered:
.L_overlay_start_0:
0x88: {  	s2 =	sld [smem:$0x3FD9]  }
0x89: {  	s3 =	sld [smem:$0x3FFE];
	_ =	sdelay $0x1  }
0x8a: {  	s1 =	srdreg.scid  }
0x8b: {  	s0 =	sand.u32 $0x1, s1  }
0x8c: {  	s17 =	sshll.u32 s0, $0xA;
	s2 =	sadd.s32 s3, s2  }
0x8d: {  	s2 =	sadd.s32 s2, s17  }
0x8e: {  	[smem:$0x3FC2] =	sst s2  }
0x8f: {  	_ = 	snop  }
0x90: {  	s2 =	sld [smem:$0x3FD0];
	(tm) =	ssettm $0x1  }
0x91: {  	s18 =	sld [smem:$0x3FFB];
	_ =	sdelay $0x3  }
0x92: {  	_ =	strace s18  }
0x93: {  	s3 =	sld [smem:$0x3FFC];
	_ =	sdelay $0x3  }
0x94: {  	_ =	strace s3  }
0x95: {  	s3 =	sld [smem:$0x3FFD];
	_ =	sdelay $0x3  }
0x96: {  	_ =	strace s3  }
0x97: {  	_ =	strace $0x8FFFFFFF  }
0x98: {  	s19 =	sld [smem:$0x3FDB];
	_ =	sdelay $0x1  }
0x99: {  	s4 =	simm.s32 $_scs_section_size  }
0x9a: {  	s5 =	simm.s32 $_size__tile_overlayer_lowered;
	s6 =	simm.s32 $_tile_overlayer_lowered  }
0x9b: {  	s22 =	simm.s32 $0x1BFF;
	s21 =	sshll.u32 s6, $0x1;
	s3 =	sadd.s32 s4, s19  }
0x9c: {  	s7 =	simm.s32 $0x0;
	s20 =	sshll.u32 s5, $0x1;
	s5 =	sadd.s32 s21, s3  }
0x9d: {  	[timem:s7], [sflag:s22] =	dma.local [hbm:s5], s20  }
0x9e: {  	_ =	swait.ge [sflag:s22], s20  }
0x9f: {  	s4 =	ssub.s32 $0x0, s20;
	[sflag:s22] =	ssyncset.done $0x0  }
0xa0: {  	[sflag:s22] =	ssyncadd.s32 s4;
	_ =	sdelay $0x1  }
0xa1: {  	s23 =	simm.s32 $0x1B8B  }
0xa2: {  	_ =	swait.ge [sflag:s23], $0x1  }
0xa3: {  	[sflag:s23] =	ssyncset.done $0x0  }
0xa4: {  	s25 =	simm.s32 $0x1B8E;
	s24 =	sld [smem:$0x3FFE];
	[sflag:s23] =	ssyncadd.s32 $0xFFFFFFFF  }
0xa5: {  	s26 =	simm.s32 $execute0_lowered;
	[smem:$0x3FD2] =	sst s25  }
0xa6: {  	s5 =	sshll.u32 s26, $0x1;
	_ =	strace $0x80000046;
	[dreg:$0x1] =	wrdreg $0xFFFFFFFF  }
0xa7: {  	s28 =	simm.s32 $_size_execute0_lowered;
	s3 =	sadd.s32 s3, s5;
	[dreg:$0x0] =	wrdreg $0x0  }
0xa8: {  	s5 =	sshll.u32 s28, $0x1;
	[dreg:$0x2] =	wrdreg s3  }
0xa9: {  	[dreg:$0x3] =	wrdreg s5  }
0xaa: {  	[dreg:$0x4] =	wrdreg $0xC0  }
0xab: {  	_ =	task [dreg:s7], $0x5FFFF  }
0xac: {  	[dreg:$0x1] =	wrdreg $0xFFFFFFFF  }
0xad: {  	[dreg:$0x0] =	wrdreg $0x60  }
0xae: {  	[dreg:$0x2] =	wrdreg s24  }
0xaf: {  	[dreg:$0x3] =	wrdreg s2  }
0xb0: {  	[dreg:$0x4] =	wrdreg $0x28800  }
0xb1: {  	[dreg:$0x5] =	wrdreg $0x9  }
0xb2: {  	_ =	task.clear_ibuf [dreg:s7], $0x6FFFF;
	_ =	strace $0x90000046  }
0xb3: {  	s29 =	simm.s32 $0x9;
	_ =	strace $0x80000048  }
0xb4: {  	_ =	swait.ge [sflag:s29], $0x1  }
0xb5: {  	[sflag:s29] =	ssyncadd.s32 $0xFFFFFFFF  }
0xb6: {  	_ =	strace $0x90000048  }
0xb7: {  	_ =	sfence  }
0xb8: {  	s30 =	sld [smem:$0x0];
	_ =	sdelay $0x2  }
0xb9: {  	s31 =	sshll.u32 s1, $0xD;
	s1 =	sshrl.u32 s1, $0x2  }
0xba: {  	s3 =	sand.u32 $0x4000, s31;
	s1 =	sadd.s32 s1, s30  }
0xbb: {  	s0 =	sor.u32 s3, s0;
	s1 =	sshll.u32 s1, $0x11  }
0xbc: {  	s0 =	sor.u32 s1, s0  }
0xbd: {  	s0 =	sadd.s32 $0x8F2B, s0  }
0xbe: {  	[sflag:s0] =	ssyncadd.remote.s32 $0x1  }
0xbf: {  	_ =	sfence.sel $0xFFFF  }
0xc0: {  	[dreg:$0x0] =	wrdreg $0xFFFFFFFF;
	(pc) =	sbr.abs _section_cstart, $3  }
0xc1: {  	[dreg:$0x1] =	wrdreg $0xFFFFFFFF  }
0xc2: {  	_ =	task.clear_ibuf [dreg:s7], $0x2FFFF;
	_ =	strace $0x9FFFFFFF  }
0xc3: {  	(tm) =	ssettm $0x7FFFFFFF  }
tec
execute0_lowered:
.L_overlay_start_1:
0x0: {  	(tag) =	ssettag $0x1  }
0x1: {  	s5 =	rddreg [dreg:$0x0]  }
0x2: {  	s8 =	rddreg [dreg:$0x1];
	s0 =	srdreg.scid  }
0x3: {  	s2 =	rddreg [dreg:$0x2];
	s1 =	stileid.u32  }
0x4: {  	s3 =	simm.s32 $0x0;
	s13 =	simm.s32 $0x80;
	s14 =	simm.s32 $0x0  }
0x5: {  	s4 =	sand.u32 $0x1, s0;
	s0 =	rddreg [dreg:$0x3];
	s7 =	smul.u32 $0x2800, s1  }
0x6: {  	[smem:$0x7FF] =	sst s3;
	s26 =	smul.u32 $0x280, s1;
	s31 =	sshll.u32 s1, $0x6  }
0x7: {  	s6 =	smul.u32 $0x28000, s4;
	_ =	strace $0x80000047;
	s9 =	ssub.s32 $0x2, s4  }
0x8: {  	s10 =	smul.u32 $0x2800, s4;
	s4 =	sadd.s32 $0xCE00, s5;
	s28 =	sshrl.u32 s9, $0x1  }
0x9: {  	s30 =	sadd.s32 s26, s2;
	s6 =	sadd.s32 s7, s6;
	s9 =	ssub.s32 s9, s28  }
0xa: {  	s29 =	sadd.s32 s26, s10;
	s10 =	sshrl.u32 s30, $0x3;
	s6 =	sshrl.u32 s6, $0x3  }
0xb: {  	s12 =	sshrl.u32 s29, $0x3;
	s9 =	smax.u32 s9, $0x1;
	s11 =	sadd.s32 s6, s5  }
0xc: {  	s5 =	sadd.s32 $0xD000, s5;
	s6 =	sor.u32 $0x1C01, s31;
	s8 =	sadd.s32 s8, s12  }
0xd: {  	s12 =	simm.s32 $0x2800;
	s7 =	sadd.s32 $0x2E00, s11;
	s11 =	simm.s32 $0x1  }
.LBB2_1:
0xe: {  	[spmem:s10], [sflag:s6] =	dma.local [hbm:s5], $0x50  }
0xf: {  	_ =	swait.ge [sflag:s11], $0x50  }
0x10: {  	[sflag:s11] =	ssyncset.done $0x0  }
0x11: {  	[sflag:s11] =	ssyncadd.s32 $0xFFFFFFB0  }
0x12: {  	[tilespmem:s3], [sflag:$0x1] =	stream.linear.gather [hbm4b:s7+s3], $0x2800, $0x38;
	[tilespmem:$0x2B00] =	vst v63  }
0x13: {  	_ =	swait.ge [sflag:s11], $0x2800  }
0x14: {  	[sflag:s11] =	ssyncset.done $0x0  }
0x15: {  	[sflag:s11] =	ssyncadd.s32 $0xFFFFD800  }
0x16: {  	[tilespmem:s12], [sflag:$0x1] =	stream.linear.gather [hbm4b:s4+s3], $0x80, $0x38;
	[tilespmem:$0x2B00] =	vst v63  }
0x17: {  	_ =	swait.ge [sflag:s11], $0x80  }
0x18: {  	[sflag:s11] =	ssyncset.done $0x0  }
0x19: {  	[sflag:s11] =	ssyncadd.s32 $0xFFFFFF80  }
0x1a: {  	s15 =	simm.s32 $0x0;
	[bflag:$0x0] =	sbarrier.arrive $0xFFFF  }
0x1b: {  	[spmem:s2] =	stream.indirect.scatter.add.f32 [tilespmem:s12], [sflag:$0x1], $0x1, s15, s13, $0xb8;
	[tilespmem:$0x2B00] =	vst v63  }
0x1c: {  	_ =	swait.ge [sflag:s11], $0x80  }
0x1d: {  	s15 =	simm.s32 $0x200;
	[sflag:s11] =	ssyncset.done $0x0  }
.LBB2_2:
0x1e: {  	s16 =	sshra.s32 s15, $0x2;
	[sflag:s11] =	ssyncadd.s32 $0xFFFFFF80;
	p0 =	sne.s32 s15, $0x9E00  }
0x1f: {  	[spmem:s2] =	stream.indirect.scatter.add.f32 [tilespmem:s12], [sflag:$0x1], $0x1, s16, s13, $0xb8;
	[tilespmem:$0x2B00] =	vst v63  }
.Ltmp0:
0x20: {  	_ = 	snop;
	(pc) =	sbr.rel @p0 .LBB2_2-.Ltmp0, $4  }
0x21: {  	_ = 	snop  }
0x22: {  	s15 =	sadd.s32 $0x200, s15  }
0x23: {  	_ =	swait.ge [sflag:s11], $0x80  }
0x24: {  	[sflag:s11] =	ssyncset.done $0x0  }
0x25: {  	s14 =	sadd.s32 $0x1, s14  }
0x26: {  	[sflag:s11] =	ssyncadd.s32 $0xFFFFFF80;
	p0 =	sne.s32 s14, s9  }
.Ltmp1:
0x27: {  	[bflag:$0x0] =	sbarrier.arrive $0xFFFF;
	(pc) =	sbr.rel @p0 .LBB2_1-.Ltmp1, $4  }
0x28: {  	[hbm:s8], [sflag:s6] =	dma.local [spmem:s10], $0x50  }
0x29: {  	_ =	swait.ge [sflag:s11], $0x50  }
0x2a: {  	[sflag:s11] =	ssyncset.done $0x0  }
0x2b: {  	[sflag:s11] =	ssyncadd.s32 $0xFFFFFFB0  }
0x2c: {  	_ =	sfence.sel $0x180000  }
0x2d: {  	[bflag:$0x0] =	sbarrier.arrive $0xFFFF  }
0x2e: {  	p0 =	sne.s32 s1, $0x0;
	_ =	strace $0x90000047  }
0x2f: {  	s0 =	sadd.s32 @!p0 $0x100000, s0;
	[bflag:$0x2] =	sbarrier.arrive $0xFFFF  }
0x30: {  	[sflag:s0] =	ssyncadd.tile.s32 @!p0 $0x1;
	_ =	shalt  }
.Lfunc_end2:
_tile_overlayer_lowered:
.L_overlay_start_2:
0x31: {  	(tag) =	ssettag $0x2  }
0x32: {  	s0 =	rddreg [dreg:$0x0];
	s2 =	stileid.u32  }
0x33: {  	s1 =	rddreg [dreg:$0x1];
	p0 =	sne.s32 s2, $0x0  }
0x34: {  	s3 =	rddreg [dreg:$0x2];
	[bflag:$0x3] =	sbarrier.arrive $0xFFFF;
	s2 =	simm.s32 @!p0 $0x1C01  }
0x35: {  	[timem:s3], [sflag:s2] =	dma.local @!p0 [hbm:s0], s1  }
0x36: {  	s0 =	simm.s32 @!p0 $0x1  }
0x37: {  	_ =	swait.ge @!p0 [sflag:s0], s1  }
0x38: {  	s1 =	ssub.s32 @!p0 $0x0, s1;
	[sflag:s0] =	ssyncset.done @!p0 $0x0  }
0x39: {  	[sflag:s0] =	ssyncadd.s32 @!p0 s1  }
0x3a: {  	[bflag:$0x3] =	sbarrier.arrive $0xFFFF  }
0x3b: {  	_ =	shalt  }

</sc_bundles>
